<compile_context>
chip_gen: v7x
topology: tpu7x:2x2x1
jax: 0.10.2.dev20260603
libtpu: 0.0.44.dev20260713+nightly
codegen_flags: <defaults>
</compile_context>

<pallas_src>
import functools

import jax
import jax.numpy as jnp
from jax import lax
from jax.experimental import pallas as pl
from jax.experimental.pallas import tpu as pltpu
from jax.experimental.pallas import tpu_sc as plsc

B = 16
N = 4096
HALF = N // 2
MAX_INCLUDED = 512
SQ_CUT = 1.0
L = 16
HCHUNKS = HALF // L
OUT_WORDS = MAX_INCLUDED * 3
LSTR = HALF + L


def _sc_body(coords_hbm, ref_hbm, out_hbm, cbuf, lbuf, nbuf, obuf, cntbuf,
             ncnt, shared_buf, shared_cnt):
    c = lax.axis_index("c")
    s = lax.axis_index("s")
    t = s // 2
    h = s % 2
    row = c * (B // 2) + t

    r3 = row * 3
    pltpu.sync_copy(coords_hbm.at[r3, pl.ds(h * HALF, HALF)],
                    cbuf.at[pl.ds(0, HALF)])
    pltpu.sync_copy(coords_hbm.at[r3 + 1, pl.ds(h * HALF, HALF)],
                    cbuf.at[pl.ds(HALF, HALF)])
    pltpu.sync_copy(coords_hbm.at[r3 + 2, pl.ds(h * HALF, HALF)],
                    cbuf.at[pl.ds(2 * HALF, HALF)])
    pltpu.sync_copy(ref_hbm.at[row], cntbuf)

    lane = lax.iota(jnp.int32, L)
    zeros_i = jnp.zeros((L,), jnp.int32)

    rx = cntbuf[pl.ds(0, L)]
    ry = cntbuf[pl.ds(L, L)]
    rz = cntbuf[pl.ds(2 * L, L)]

    def body(i, off):
        base = i * L
        x = cbuf[pl.ds(base, L)]
        y = cbuf[pl.ds(HALF + base, L)]
        z = cbuf[pl.ds(2 * HALF + base, L)]
        dx = x - rx
        dy = y - ry
        dz = z - rz
        d2 = dx * dx + dy * dy + dz * dz
        m = d2 <= SQ_CUT
        plsc.store_compressed(lbuf.at[pl.ds(off, L)], dx, mask=m)
        plsc.store_compressed(lbuf.at[pl.ds(LSTR + off, L)], dy, mask=m)
        plsc.store_compressed(lbuf.at[pl.ds(2 * LSTR + off, L)], dz, mask=m)
        return off + plsc.all_reduce_population_count(m)[0]

    cnt_s = lax.fori_loop(0, HCHUNKS, body, 0, unroll=8)
    cnt = zeros_i + cnt_s

    ncnt[pl.ds(0, L)] = cnt
    sb = s * OUT_WORDS
    pltpu.sync_copy(lbuf.at[pl.ds(0, MAX_INCLUDED)],
                    shared_buf.at[pl.ds(sb, MAX_INCLUDED)])
    pltpu.sync_copy(lbuf.at[pl.ds(LSTR, MAX_INCLUDED)],
                    shared_buf.at[pl.ds(sb + MAX_INCLUDED, MAX_INCLUDED)])
    pltpu.sync_copy(lbuf.at[pl.ds(2 * LSTR, MAX_INCLUDED)],
                    shared_buf.at[pl.ds(sb + 2 * MAX_INCLUDED, MAX_INCLUDED)])
    pltpu.sync_copy(ncnt, shared_cnt.at[pl.ds(s * L, L)])
    plsc.subcore_barrier()

    @pl.when(h == 0)
    def _():
        pltpu.sync_copy(shared_buf.at[pl.ds((s + 1) * OUT_WORDS, OUT_WORDS)], nbuf)
        pltpu.sync_copy(shared_cnt.at[pl.ds((s + 1) * L, L)], ncnt)
        c1 = ncnt[pl.ds(0, L)]
        total = cnt + c1

        def merge(j, carry):
            jvec = lane + j * L
            sel0 = jvec < cnt
            sel1 = (~sel0) & (jvec < total)
            idx1 = jnp.clip(jvec - cnt, 0, MAX_INCLUDED - 1)
            fbase = jvec * 3
            for k in range(3):
                v0 = plsc.load_gather(lbuf, [jvec + k * LSTR])
                v1 = plsc.load_gather(nbuf, [idx1 + k * MAX_INCLUDED])
                v = jnp.where(sel0, v0, jnp.where(sel1, v1, 0.0))
                plsc.store_scatter(obuf, [fbase + k], v)
            return carry

        lax.fori_loop(0, MAX_INCLUDED // L, merge, 0, unroll=4)
        pltpu.sync_copy(obuf, out_hbm.at[row])


@jax.jit
def _run(coords_t, ref_pad):
    mesh = plsc.VectorSubcoreMesh(core_axis_name="c", subcore_axis_name="s")
    k = functools.partial(
        pl.kernel,
        mesh=mesh,
        out_type=jax.ShapeDtypeStruct((B, OUT_WORDS), jnp.float32),
        compiler_params=pltpu.CompilerParams(
            needs_layout_passes=False,
            skip_device_barrier=True,
        ),
        scratch_types=[
            pltpu.VMEM((3 * HALF,), jnp.float32),
            pltpu.VMEM((3 * LSTR,), jnp.float32),
            pltpu.VMEM((OUT_WORDS,), jnp.float32),
            pltpu.VMEM((OUT_WORDS,), jnp.float32),
            pltpu.VMEM((3 * L,), jnp.float32),
            pltpu.VMEM((L,), jnp.int32),
            pltpu.VMEM_SHARED((16 * OUT_WORDS,), jnp.float32),
            pltpu.VMEM_SHARED((16 * L,), jnp.int32),
        ],
    )(_sc_body)
    return k(coords_t, ref_pad)


def kernel(coords, ref):
    coords_t = coords.transpose(0, 2, 1).reshape(B * 3, N)
    ref_pad = jnp.broadcast_to(ref[:, :, None], (B, 3, L)).reshape(B, 3 * L)
    out = _run(coords_t, ref_pad)
    return out.reshape(B, MAX_INCLUDED, 3)

# --- scband reference (transcript-rebuilt; emitter-appended) ---
"""Pipeline reference for scband-distance-selection-73289321939002 (READ-ONLY COPY).

The authoritative reference and input builder live on the scoring server;
editing this copy changes nothing except your own understanding.
"""

import jax, jax.numpy as jnp
import numpy as np

SQ_CUT = 1.0  # cutoff ** 2
MAX_INCLUDED = 512


def setup_inputs(seed: int = 0) -> dict:
    key = jax.random.key(seed)
    k1, k2 = jax.random.split(key)
    coords = jax.random.normal(k1, (16, 4096, 3), dtype=jnp.float32)
    ref = jax.random.normal(k2, (16, 3), dtype=jnp.float32)
    return {"coords": coords, "ref": ref}


def reference(coords, ref):
    # coords: (B, N, 3), ref: (B, 3)
    B, N, _ = coords.shape
    ref = jnp.reshape(ref, (B, 1, 3))
    local_coords = coords - ref
    dists_sq = jnp.sum(local_coords * local_coords, axis=-1)  # (B, N)
    mask = dists_sq <= SQ_CUT  # (B, N)
    # Position of each selected particle within its row (stable, in original order),
    # matching tf.ragged.boolean_mask followed by to_tensor with fixed shape
    # (which truncates any selections beyond MAX_INCLUDED).
    pos = jnp.cumsum(mask.astype(jnp.int32), axis=1) - 1  # (B, N)
    valid = mask & (pos < MAX_INCLUDED)
    idx = jnp.where(valid, pos, MAX_INCLUDED)  # invalid -> overflow slot
    bidx = jnp.broadcast_to(jnp.arange(B)[:, None], (B, N))
    vals = jnp.where(valid[..., None], local_coords, 0.0)
    out = jnp.zeros((B, MAX_INCLUDED + 1, 3), dtype=coords.dtype)
    # valid indices are unique per row, so scatter-add == scatter-set; the
    # overflow slot only accumulates zeros and is sliced off.
    out = out.at[bidx, idx].add(vals)
    select_coords = out[:, :MAX_INCLUDED, :]
    return select_coords

if __name__ == "__main__":
    import jax
    _d = setup_inputs()
    print(jax.jit(kernel)(*tuple(_d.values())))

</pallas_src>

<mosaic_0001>
#map = affine_map<(d0, d1) -> (0, 0)>
module attributes {stable_mosaic.version = 14 : i64} {
  func.func @_sc_body(%arg0: i32, %arg1: i32, %arg2: memref<48x4096xf32, #tpu.memory_space<hbm>>, %arg3: memref<16x48xf32, #tpu.memory_space<hbm>>, %arg4: memref<16x1536xf32, #tpu.memory_space<hbm>>, %arg5: memref<6144xf32, #tpu.memory_space<vmem>>, %arg6: memref<6192xf32, #tpu.memory_space<vmem>>, %arg7: memref<1536xf32, #tpu.memory_space<vmem>>, %arg8: memref<1536xf32, #tpu.memory_space<vmem>>, %arg9: memref<48xf32, #tpu.memory_space<vmem>>, %arg10: memref<16xi32, #tpu.memory_space<vmem>>, %arg11: memref<24576xf32, #tpu.memory_space<vmem_shared>>, %arg12: memref<256xi32, #tpu.memory_space<vmem_shared>>) attributes {dimension_semantics = [#tpu.dimension_semantics<core_parallel>, #tpu.dimension_semantics<subcore_parallel>], iteration_bounds = array<i64: 2, 16>, scalar_prefetch = 0 : i64, scratch_operands = 8 : i64, tpu.core_type = #tpu.core_type<sc_vector_subcore>, window_params = [{transform_indices = #map}, {transform_indices = #map}, {transform_indices = #map}]} {
    %jit3A = arith.constant 2 : i32
    %div3A = arith.divsi %arg1, %jit3A : i32
    %sign3A = arith.constant 0 : i32
    %sign3A_0 = arith.cmpi sgt, %arg1, %sign3A : i32
    %sign3A_1 = arith.extui %sign3A_0 : i1 to i32
    %sign3A_2 = arith.constant 0 : i32
    %sign3A_3 = arith.cmpi slt, %arg1, %sign3A_2 : i32
    %sign3A_4 = arith.extui %sign3A_3 : i1 to i32
    %sign3A_5 = arith.subi %sign3A_1, %sign3A_4 : i32
    %sign3A_6 = arith.constant 0 : i32
    %sign3A_7 = arith.cmpi sgt, %jit3A, %sign3A_6 : i32
    %sign3A_8 = arith.extui %sign3A_7 : i1 to i32
    %sign3A_9 = arith.constant 0 : i32
    %sign3A_10 = arith.cmpi slt, %jit3A, %sign3A_9 : i32
    %sign3A_11 = arith.extui %sign3A_10 : i1 to i32
    %sign3A_12 = arith.subi %sign3A_8, %sign3A_11 : i32
    %ne3A = arith.cmpi ne, %sign3A_5, %sign3A_12 : i32
    %rem3A = arith.remsi %arg1, %jit3A : i32
    %ne3A_13 = arith.constant 0 : i32
    %ne3A_14 = arith.cmpi ne, %rem3A, %ne3A_13 : i32
    %and3A = arith.andi %ne3A, %ne3A_14 : i1
    %sub3A = arith.constant 1 : i32
    %sub3A_15 = arith.subi %div3A, %sub3A : i32
    %select_n3A = arith.select %and3A, %sub3A_15, %div3A : i32
    %jit3A_16 = arith.constant 2 : i32
    %eq3A = arith.constant 0 : i32
    %eq3A_17 = arith.cmpi eq, %jit3A_16, %eq3A : i32
    %jit3A_18 = arith.constant 1 : i32
    %select_n3A_19 = arith.select %eq3A_17, %jit3A_18, %jit3A_16 : i32
    %rem3A_20 = arith.remsi %arg1, %select_n3A_19 : i32
    %ne3A_21 = arith.constant 0 : i32
    %ne3A_22 = arith.cmpi ne, %rem3A_20, %ne3A_21 : i32
    %lt3A = arith.constant 0 : i32
    %lt3A_23 = arith.cmpi slt, %rem3A_20, %lt3A : i32
    %lt3A_24 = arith.constant 0 : i32
    %lt3A_25 = arith.cmpi slt, %select_n3A_19, %lt3A_24 : i32
    %ne3A_26 = arith.xori %lt3A_23, %lt3A_25 : i1
    %and3A_27 = arith.andi %ne3A_26, %ne3A_22 : i1
    %add3A = arith.addi %rem3A_20, %select_n3A_19 : i32
    %select_n3A_28 = arith.select %and3A_27, %add3A, %rem3A_20 : i32
    %mul3A = arith.constant 8 : i32
    %mul3A_29 = arith.muli %arg0, %mul3A : i32
    %add3A_30 = arith.addi %mul3A_29, %select_n3A : i32
    %mul3A_31 = arith.constant 3 : i32
    %mul3A_32 = arith.muli %add3A_30, %mul3A_31 : i32
    %mul3A_33 = arith.constant 2048 : i32
    %mul3A_34 = arith.muli %select_n3A_28, %mul3A_33 : i32
    "tpu.region"() ({
      %run_scoped3A = tpu.sem_alloc : memref<!tpu.dma_semaphore, #tpu.memory_space<semaphore_mem>>
      %dma_start3A = arith.constant 0 : i32
      %dma_start3A_69 = tpu.memref_slice %arg5[%dma_start3A] : memref<6144xf32, #tpu.memory_space<vmem>> -> memref<2048xf32, #tpu.memory_space<vmem>>
      %dma_start3A_70 = tpu.memref_slice %arg2[%mul3A_32, %mul3A_34] : memref<48x4096xf32, #tpu.memory_space<hbm>> -> memref<1x2048xf32, #tpu.memory_space<hbm>>
      %dma_start3A_71 = tpu.memref_squeeze %dma_start3A_70 : memref<1x2048xf32, #tpu.memory_space<hbm>> -> memref<2048xf32, #tpu.memory_space<hbm>>
      %dma_start3A_72 = arith.constant 0 : i32
      %dma_start3A_73 = tpu.memref_slice %arg5[%dma_start3A_72] : memref<6144xf32, #tpu.memory_space<vmem>> -> memref<2048xf32, #tpu.memory_space<vmem>>
      %dma_start3A_74 = tpu.memref_slice %arg2[%mul3A_32, %mul3A_34] : memref<48x4096xf32, #tpu.memory_space<hbm>> -> memref<1x2048xf32, #tpu.memory_space<hbm>>
      %dma_start3A_75 = tpu.memref_squeeze %dma_start3A_74 : memref<1x2048xf32, #tpu.memory_space<hbm>> -> memref<2048xf32, #tpu.memory_space<hbm>>
      tpu.enqueue_dma source(%dma_start3A_75 : memref<2048xf32, #tpu.memory_space<hbm>>) target(%dma_start3A_73 : memref<2048xf32, #tpu.memory_space<vmem>>) target_semaphore(%run_scoped3A : memref<!tpu.dma_semaphore, #tpu.memory_space<semaphore_mem>>)
      %dma_wait3A = arith.constant 0 : i32
      %dma_wait3A_76 = tpu.memref_slice %arg5[%dma_wait3A] : memref<6144xf32, #tpu.memory_space<vmem>> -> memref<2048xf32, #tpu.memory_space<vmem>>
      %dma_wait3A_77 = tpu.memref_slice %arg2[%mul3A_32, %mul3A_34] : memref<48x4096xf32, #tpu.memory_space<hbm>> -> memref<1x2048xf32, #tpu.memory_space<hbm>>
      %dma_wait3A_78 = tpu.memref_squeeze %dma_wait3A_77 : memref<1x2048xf32, #tpu.memory_space<hbm>> -> memref<2048xf32, #tpu.memory_space<hbm>>
      %dma_wait3A_79 = arith.constant 0 : i32
      %dma_wait3A_80 = tpu.memref_slice %arg5[%dma_wait3A_79] : memref<6144xf32, #tpu.memory_space<vmem>> -> memref<2048xf32, #tpu.memory_space<vmem>>
      %dma_wait3A_81 = tpu.memref_slice %arg2[%mul3A_32, %mul3A_34] : memref<48x4096xf32, #tpu.memory_space<hbm>> -> memref<1x2048xf32, #tpu.memory_space<hbm>>
      %dma_wait3A_82 = tpu.memref_squeeze %dma_wait3A_81 : memref<1x2048xf32, #tpu.memory_space<hbm>> -> memref<2048xf32, #tpu.memory_space<hbm>>
      tpu.wait_dma2 semaphore(%run_scoped3A : memref<!tpu.dma_semaphore, #tpu.memory_space<semaphore_mem>>) src(%dma_wait3A_82 : memref<2048xf32, #tpu.memory_space<hbm>>) dst(%dma_wait3A_80 : memref<2048xf32, #tpu.memory_space<vmem>>)
      tpu.yield
    }) : () -> ()
    %add3A_35 = arith.constant 1 : i32
    %add3A_36 = arith.addi %mul3A_32, %add3A_35 : i32
    %mul3A_37 = arith.constant 2048 : i32
    %mul3A_38 = arith.muli %select_n3A_28, %mul3A_37 : i32
    "tpu.region"() ({
      %run_scoped3A = tpu.sem_alloc : memref<!tpu.dma_semaphore, #tpu.memory_space<semaphore_mem>>
      %dma_start3A = arith.constant 2048 : i32
      %dma_start3A_69 = tpu.memref_slice %arg5[%dma_start3A] : memref<6144xf32, #tpu.memory_space<vmem>> -> memref<2048xf32, #tpu.memory_space<vmem>>
      %dma_start3A_70 = tpu.memref_slice %arg2[%add3A_36, %mul3A_38] : memref<48x4096xf32, #tpu.memory_space<hbm>> -> memref<1x2048xf32, #tpu.memory_space<hbm>>
      %dma_start3A_71 = tpu.memref_squeeze %dma_start3A_70 : memref<1x2048xf32, #tpu.memory_space<hbm>> -> memref<2048xf32, #tpu.memory_space<hbm>>
      %dma_start3A_72 = arith.constant 2048 : i32
      %dma_start3A_73 = tpu.memref_slice %arg5[%dma_start3A_72] : memref<6144xf32, #tpu.memory_space<vmem>> -> memref<2048xf32, #tpu.memory_space<vmem>>
      %dma_start3A_74 = tpu.memref_slice %arg2[%add3A_36, %mul3A_38] : memref<48x4096xf32, #tpu.memory_space<hbm>> -> memref<1x2048xf32, #tpu.memory_space<hbm>>
      %dma_start3A_75 = tpu.memref_squeeze %dma_start3A_74 : memref<1x2048xf32, #tpu.memory_space<hbm>> -> memref<2048xf32, #tpu.memory_space<hbm>>
      tpu.enqueue_dma source(%dma_start3A_75 : memref<2048xf32, #tpu.memory_space<hbm>>) target(%dma_start3A_73 : memref<2048xf32, #tpu.memory_space<vmem>>) target_semaphore(%run_scoped3A : memref<!tpu.dma_semaphore, #tpu.memory_space<semaphore_mem>>)
      %dma_wait3A = arith.constant 2048 : i32
      %dma_wait3A_76 = tpu.memref_slice %arg5[%dma_wait3A] : memref<6144xf32, #tpu.memory_space<vmem>> -> memref<2048xf32, #tpu.memory_space<vmem>>
      %dma_wait3A_77 = tpu.memref_slice %arg2[%add3A_36, %mul3A_38] : memref<48x4096xf32, #tpu.memory_space<hbm>> -> memref<1x2048xf32, #tpu.memory_space<hbm>>
      %dma_wait3A_78 = tpu.memref_squeeze %dma_wait3A_77 : memref<1x2048xf32, #tpu.memory_space<hbm>> -> memref<2048xf32, #tpu.memory_space<hbm>>
      %dma_wait3A_79 = arith.constant 2048 : i32
      %dma_wait3A_80 = tpu.memref_slice %arg5[%dma_wait3A_79] : memref<6144xf32, #tpu.memory_space<vmem>> -> memref<2048xf32, #tpu.memory_space<vmem>>
      %dma_wait3A_81 = tpu.memref_slice %arg2[%add3A_36, %mul3A_38] : memref<48x4096xf32, #tpu.memory_space<hbm>> -> memref<1x2048xf32, #tpu.memory_space<hbm>>
      %dma_wait3A_82 = tpu.memref_squeeze %dma_wait3A_81 : memref<1x2048xf32, #tpu.memory_space<hbm>> -> memref<2048xf32, #tpu.memory_space<hbm>>
      tpu.wait_dma2 semaphore(%run_scoped3A : memref<!tpu.dma_semaphore, #tpu.memory_space<semaphore_mem>>) src(%dma_wait3A_82 : memref<2048xf32, #tpu.memory_space<hbm>>) dst(%dma_wait3A_80 : memref<2048xf32, #tpu.memory_space<vmem>>)
      tpu.yield
    }) : () -> ()
    %add3A_39 = arith.constant 2 : i32
    %add3A_40 = arith.addi %mul3A_32, %add3A_39 : i32
    %mul3A_41 = arith.constant 2048 : i32
    %mul3A_42 = arith.muli %select_n3A_28, %mul3A_41 : i32
    "tpu.region"() ({
      %run_scoped3A = tpu.sem_alloc : memref<!tpu.dma_semaphore, #tpu.memory_space<semaphore_mem>>
      %dma_start3A = arith.constant 4096 : i32
      %dma_start3A_69 = tpu.memref_slice %arg5[%dma_start3A] : memref<6144xf32, #tpu.memory_space<vmem>> -> memref<2048xf32, #tpu.memory_space<vmem>>
      %dma_start3A_70 = tpu.memref_slice %arg2[%add3A_40, %mul3A_42] : memref<48x4096xf32, #tpu.memory_space<hbm>> -> memref<1x2048xf32, #tpu.memory_space<hbm>>
      %dma_start3A_71 = tpu.memref_squeeze %dma_start3A_70 : memref<1x2048xf32, #tpu.memory_space<hbm>> -> memref<2048xf32, #tpu.memory_space<hbm>>
      %dma_start3A_72 = arith.constant 4096 : i32
      %dma_start3A_73 = tpu.memref_slice %arg5[%dma_start3A_72] : memref<6144xf32, #tpu.memory_space<vmem>> -> memref<2048xf32, #tpu.memory_space<vmem>>
      %dma_start3A_74 = tpu.memref_slice %arg2[%add3A_40, %mul3A_42] : memref<48x4096xf32, #tpu.memory_space<hbm>> -> memref<1x2048xf32, #tpu.memory_space<hbm>>
      %dma_start3A_75 = tpu.memref_squeeze %dma_start3A_74 : memref<1x2048xf32, #tpu.memory_space<hbm>> -> memref<2048xf32, #tpu.memory_space<hbm>>
      tpu.enqueue_dma source(%dma_start3A_75 : memref<2048xf32, #tpu.memory_space<hbm>>) target(%dma_start3A_73 : memref<2048xf32, #tpu.memory_space<vmem>>) target_semaphore(%run_scoped3A : memref<!tpu.dma_semaphore, #tpu.memory_space<semaphore_mem>>)
      %dma_wait3A = arith.constant 4096 : i32
      %dma_wait3A_76 = tpu.memref_slice %arg5[%dma_wait3A] : memref<6144xf32, #tpu.memory_space<vmem>> -> memref<2048xf32, #tpu.memory_space<vmem>>
      %dma_wait3A_77 = tpu.memref_slice %arg2[%add3A_40, %mul3A_42] : memref<48x4096xf32, #tpu.memory_space<hbm>> -> memref<1x2048xf32, #tpu.memory_space<hbm>>
      %dma_wait3A_78 = tpu.memref_squeeze %dma_wait3A_77 : memref<1x2048xf32, #tpu.memory_space<hbm>> -> memref<2048xf32, #tpu.memory_space<hbm>>
      %dma_wait3A_79 = arith.constant 4096 : i32
      %dma_wait3A_80 = tpu.memref_slice %arg5[%dma_wait3A_79] : memref<6144xf32, #tpu.memory_space<vmem>> -> memref<2048xf32, #tpu.memory_space<vmem>>
      %dma_wait3A_81 = tpu.memref_slice %arg2[%add3A_40, %mul3A_42] : memref<48x4096xf32, #tpu.memory_space<hbm>> -> memref<1x2048xf32, #tpu.memory_space<hbm>>
      %dma_wait3A_82 = tpu.memref_squeeze %dma_wait3A_81 : memref<1x2048xf32, #tpu.memory_space<hbm>> -> memref<2048xf32, #tpu.memory_space<hbm>>
      tpu.wait_dma2 semaphore(%run_scoped3A : memref<!tpu.dma_semaphore, #tpu.memory_space<semaphore_mem>>) src(%dma_wait3A_82 : memref<2048xf32, #tpu.memory_space<hbm>>) dst(%dma_wait3A_80 : memref<2048xf32, #tpu.memory_space<vmem>>)
      tpu.yield
    }) : () -> ()
    "tpu.region"() ({
      %run_scoped3A = tpu.sem_alloc : memref<!tpu.dma_semaphore, #tpu.memory_space<semaphore_mem>>
      %dma_start3A = arith.constant 0 : i32
      %dma_start3A_69 = tpu.memref_slice %arg3[%add3A_30, %dma_start3A] : memref<16x48xf32, #tpu.memory_space<hbm>> -> memref<1x48xf32, #tpu.memory_space<hbm>>
      %dma_start3A_70 = tpu.memref_squeeze %dma_start3A_69 : memref<1x48xf32, #tpu.memory_space<hbm>> -> memref<48xf32, #tpu.memory_space<hbm>>
      %dma_start3A_71 = arith.constant 0 : i32
      %dma_start3A_72 = tpu.memref_slice %arg3[%add3A_30, %dma_start3A_71] : memref<16x48xf32, #tpu.memory_space<hbm>> -> memref<1x48xf32, #tpu.memory_space<hbm>>
      %dma_start3A_73 = tpu.memref_squeeze %dma_start3A_72 : memref<1x48xf32, #tpu.memory_space<hbm>> -> memref<48xf32, #tpu.memory_space<hbm>>
      tpu.enqueue_dma source(%dma_start3A_73 : memref<48xf32, #tpu.memory_space<hbm>>) target(%arg9 : memref<48xf32, #tpu.memory_space<vmem>>) target_semaphore(%run_scoped3A : memref<!tpu.dma_semaphore, #tpu.memory_space<semaphore_mem>>)
      %dma_wait3A = arith.constant 0 : i32
      %dma_wait3A_74 = tpu.memref_slice %arg3[%add3A_30, %dma_wait3A] : memref<16x48xf32, #tpu.memory_space<hbm>> -> memref<1x48xf32, #tpu.memory_space<hbm>>
      %dma_wait3A_75 = tpu.memref_squeeze %dma_wait3A_74 : memref<1x48xf32, #tpu.memory_space<hbm>> -> memref<48xf32, #tpu.memory_space<hbm>>
      %dma_wait3A_76 = arith.constant 0 : i32
      %dma_wait3A_77 = tpu.memref_slice %arg3[%add3A_30, %dma_wait3A_76] : memref<16x48xf32, #tpu.memory_space<hbm>> -> memref<1x48xf32, #tpu.memory_space<hbm>>
      %dma_wait3A_78 = tpu.memref_squeeze %dma_wait3A_77 : memref<1x48xf32, #tpu.memory_space<hbm>> -> memref<48xf32, #tpu.memory_space<hbm>>
      tpu.wait_dma2 semaphore(%run_scoped3A : memref<!tpu.dma_semaphore, #tpu.memory_space<semaphore_mem>>) src(%dma_wait3A_78 : memref<48xf32, #tpu.memory_space<hbm>>) dst(%arg9 : memref<48xf32, #tpu.memory_space<vmem>>)
      tpu.yield
    }) : () -> ()
    %iota3A = tpu.iota {dimensions = array<i32: 0>} : vector<16xi32>
    %broadcast_in_dim3A = arith.constant 0 : i32
    %broadcast_in_dim3A_43 = vector.broadcast %broadcast_in_dim3A : i32 to vector<16xi32>
    %get3A = arith.constant 0 : index
    %get3A_44 = tpu.vector_load %arg9[%get3A] {strides = array<i32>} : memref<48xf32, #tpu.memory_space<vmem>>, vector<16xf32>,
    %get3A_45 = arith.constant 16 : index
    %get3A_46 = tpu.vector_load %arg9[%get3A_45] {strides = array<i32>} : memref<48xf32, #tpu.memory_space<vmem>>, vector<16xf32>,
    %get3A_47 = arith.constant 32 : index
    %get3A_48 = tpu.vector_load %arg9[%get3A_47] {strides = array<i32>} : memref<48xf32, #tpu.memory_space<vmem>>, vector<16xf32>,
    %scan3A = arith.constant 0 : i32
    %scan3A_49 = arith.constant 0 : i32
    %scan3A_50 = arith.constant 128 : i32
    %scan3A_51 = arith.addi %scan3A_49, %scan3A_50 : i32
    %scan3A_52 = arith.constant 8 : i32
    %scan3A_53 = scf.for %scan3A_69 = %scan3A_49 to %scan3A_51 step %scan3A_52 iter_args(%scan3A_70 = %scan3A) -> (i32)  : i32 {
      %mul3A_71 = arith.constant 16 : i32
      %mul3A_72 = arith.muli %scan3A_69, %mul3A_71 : i32
      %get3A_73 = arith.index_cast %mul3A_72 : i32 to index
      %get3A_74 = tpu.vector_load %arg5[%get3A_73] {strides = array<i32>} : memref<6144xf32, #tpu.memory_space<vmem>>, vector<16xf32>,
      %add3A_75 = arith.constant 2048 : i32
      %add3A_76 = arith.addi %add3A_75, %mul3A_72 : i32
      %get3A_77 = arith.index_cast %add3A_76 : i32 to index
      %get3A_78 = tpu.vector_load %arg5[%get3A_77] {strides = array<i32>} : memref<6144xf32, #tpu.memory_space<vmem>>, vector<16xf32>,
      %add3A_79 = arith.constant 4096 : i32
      %add3A_80 = arith.addi %add3A_79, %mul3A_72 : i32
      %get3A_81 = arith.index_cast %add3A_80 : i32 to index
      %get3A_82 = tpu.vector_load %arg5[%get3A_81] {strides = array<i32>} : memref<6144xf32, #tpu.memory_space<vmem>>, vector<16xf32>,
      %sub3A_83 = arith.subf %get3A_74, %get3A_44 : vector<16xf32>
      %sub3A_84 = arith.subf %get3A_78, %get3A_46 : vector<16xf32>
      %sub3A_85 = arith.subf %get3A_82, %get3A_48 : vector<16xf32>
      %mul3A_86 = arith.mulf %sub3A_83, %sub3A_83 : vector<16xf32>
      %mul3A_87 = arith.mulf %sub3A_84, %sub3A_84 : vector<16xf32>
      %add3A_88 = arith.addf %mul3A_86, %mul3A_87 : vector<16xf32>
      %mul3A_89 = arith.mulf %sub3A_85, %sub3A_85 : vector<16xf32>
      %add3A_90 = arith.addf %add3A_88, %mul3A_89 : vector<16xf32>
      %le3A = arith.constant 1.000000e+00 : f32
      %le3A_91 = vector.broadcast %le3A : f32 to vector<16xf32>
      %le3A_92 = arith.cmpf ole, %add3A_90, %le3A_91 : vector<16xf32>
      %swap3A_93 = arith.index_cast %scan3A_70 : i32 to index
      %swap3A_94 = tpu.vector_load %arg6[%swap3A_93] masked %le3A_92 {strides = array<i32>} : memref<6192xf32, #tpu.memory_space<vmem>>, vector<16xf32>, vector<16xi1>
      tpu.vector_store %arg6[%swap3A_93], %sub3A_83 masked %le3A_92 {strides = array<i32>} : memref<6192xf32, #tpu.memory_space<vmem>>, vector<16xf32>, vector<16xi1>
      %add3A_95 = arith.constant 2064 : i32
      %add3A_96 = arith.addi %add3A_95, %scan3A_70 : i32
      %swap3A_97 = arith.index_cast %add3A_96 : i32 to index
      %swap3A_98 = tpu.vector_load %arg6[%swap3A_97] masked %le3A_92 {strides = array<i32>} : memref<6192xf32, #tpu.memory_space<vmem>>, vector<16xf32>, vector<16xi1>
      tpu.vector_store %arg6[%swap3A_97], %sub3A_84 masked %le3A_92 {strides = array<i32>} : memref<6192xf32, #tpu.memory_space<vmem>>, vector<16xf32>, vector<16xi1>
      %add3A_99 = arith.constant 4128 : i32
      %add3A_100 = arith.addi %add3A_99, %scan3A_70 : i32
      %swap3A_101 = arith.index_cast %add3A_100 : i32 to index
      %swap3A_102 = tpu.vector_load %arg6[%swap3A_101] masked %le3A_92 {strides = array<i32>} : memref<6192xf32, #tpu.memory_space<vmem>>, vector<16xf32>, vector<16xi1>
      tpu.vector_store %arg6[%swap3A_101], %sub3A_85 masked %le3A_92 {strides = array<i32>} : memref<6192xf32, #tpu.memory_space<vmem>>, vector<16xf32>, vector<16xi1>
      %all_reduce_population_count3A = tpu.all_reduce %le3A_92 {dim = 0 : i64, kind = #tpu.reduction_kind<sum>} : vector<16xi1> -> vector<16xi32>
      %slice3A = vector.extract_strided_slice %all_reduce_population_count3A {offsets = [0], sizes = [1], strides = [1]} : vector<16xi32> to vector<1xi32>
      %squeeze3A = vector.extract %slice3A[0] : i32 from vector<1xi32>
      %add3A_103 = arith.addi %scan3A_70, %squeeze3A : i32
      %scan3A_104 = arith.constant 1 : i32
      %scan3A_105 = arith.addi %scan3A_69, %scan3A_104 : i32
      %mul3A_106 = arith.constant 16 : i32
      %mul3A_107 = arith.muli %scan3A_105, %mul3A_106 : i32
      %get3A_108 = arith.index_cast %mul3A_107 : i32 to index
      %get3A_109 = tpu.vector_load %arg5[%get3A_108] {strides = array<i32>} : memref<6144xf32, #tpu.memory_space<vmem>>, vector<16xf32>,
      %add3A_110 = arith.constant 2048 : i32
      %add3A_111 = arith.addi %add3A_110, %mul3A_107 : i32
      %get3A_112 = arith.index_cast %add3A_111 : i32 to index
      %get3A_113 = tpu.vector_load %arg5[%get3A_112] {strides = array<i32>} : memref<6144xf32, #tpu.memory_space<vmem>>, vector<16xf32>,
      %add3A_114 = arith.constant 4096 : i32
      %add3A_115 = arith.addi %add3A_114, %mul3A_107 : i32
      %get3A_116 = arith.index_cast %add3A_115 : i32 to index
      %get3A_117 = tpu.vector_load %arg5[%get3A_116] {strides = array<i32>} : memref<6144xf32, #tpu.memory_space<vmem>>, vector<16xf32>,
      %sub3A_118 = arith.subf %get3A_109, %get3A_44 : vector<16xf32>
      %sub3A_119 = arith.subf %get3A_113, %get3A_46 : vector<16xf32>
      %sub3A_120 = arith.subf %get3A_117, %get3A_48 : vector<16xf32>
      %mul3A_121 = arith.mulf %sub3A_118, %sub3A_118 : vector<16xf32>
      %mul3A_122 = arith.mulf %sub3A_119, %sub3A_119 : vector<16xf32>
      %add3A_123 = arith.addf %mul3A_121, %mul3A_122 : vector<16xf32>
      %mul3A_124 = arith.mulf %sub3A_120, %sub3A_120 : vector<16xf32>
      %add3A_125 = arith.addf %add3A_123, %mul3A_124 : vector<16xf32>
      %le3A_126 = arith.constant 1.000000e+00 : f32
      %le3A_127 = vector.broadcast %le3A_126 : f32 to vector<16xf32>
      %le3A_128 = arith.cmpf ole, %add3A_125, %le3A_127 : vector<16xf32>
      %swap3A_129 = arith.index_cast %add3A_103 : i32 to index
      %swap3A_130 = tpu.vector_load %arg6[%swap3A_129] masked %le3A_128 {strides = array<i32>} : memref<6192xf32, #tpu.memory_space<vmem>>, vector<16xf32>, vector<16xi1>
      tpu.vector_store %arg6[%swap3A_129], %sub3A_118 masked %le3A_128 {strides = array<i32>} : memref<6192xf32, #tpu.memory_space<vmem>>, vector<16xf32>, vector<16xi1>
      %add3A_131 = arith.constant 2064 : i32
      %add3A_132 = arith.addi %add3A_131, %add3A_103 : i32
      %swap3A_133 = arith.index_cast %add3A_132 : i32 to index
      %swap3A_134 = tpu.vector_load %arg6[%swap3A_133] masked %le3A_128 {strides = array<i32>} : memref<6192xf32, #tpu.memory_space<vmem>>, vector<16xf32>, vector<16xi1>
      tpu.vector_store %arg6[%swap3A_133], %sub3A_119 masked %le3A_128 {strides = array<i32>} : memref<6192xf32, #tpu.memory_space<vmem>>, vector<16xf32>, vector<16xi1>
      %add3A_135 = arith.constant 4128 : i32
      %add3A_136 = arith.addi %add3A_135, %add3A_103 : i32
      %swap3A_137 = arith.index_cast %add3A_136 : i32 to index
      %swap3A_138 = tpu.vector_load %arg6[%swap3A_137] masked %le3A_128 {strides = array<i32>} : memref<6192xf32, #tpu.memory_space<vmem>>, vector<16xf32>, vector<16xi1>
      tpu.vector_store %arg6[%swap3A_137], %sub3A_120 masked %le3A_128 {strides = array<i32>} : memref<6192xf32, #tpu.memory_space<vmem>>, vector<16xf32>, vector<16xi1>
      %all_reduce_population_count3A_139 = tpu.all_reduce %le3A_128 {dim = 0 : i64, kind = #tpu.reduction_kind<sum>} : vector<16xi1> -> vector<16xi32>
      %slice3A_140 = vector.extract_strided_slice %all_reduce_population_count3A_139 {offsets = [0], sizes = [1], strides = [1]} : vector<16xi32> to vector<1xi32>
      %squeeze3A_141 = vector.extract %slice3A_140[0] : i32 from vector<1xi32>
      %add3A_142 = arith.addi %add3A_103, %squeeze3A_141 : i32
      %scan3A_143 = arith.constant 2 : i32
      %scan3A_144 = arith.addi %scan3A_69, %scan3A_143 : i32
      %mul3A_145 = arith.constant 16 : i32
      %mul3A_146 = arith.muli %scan3A_144, %mul3A_145 : i32
      %get3A_147 = arith.index_cast %mul3A_146 : i32 to index
      %get3A_148 = tpu.vector_load %arg5[%get3A_147] {strides = array<i32>} : memref<6144xf32, #tpu.memory_space<vmem>>, vector<16xf32>,
      %add3A_149 = arith.constant 2048 : i32
      %add3A_150 = arith.addi %add3A_149, %mul3A_146 : i32
      %get3A_151 = arith.index_cast %add3A_150 : i32 to index
      %get3A_152 = tpu.vector_load %arg5[%get3A_151] {strides = array<i32>} : memref<6144xf32, #tpu.memory_space<vmem>>, vector<16xf32>,
      %add3A_153 = arith.constant 4096 : i32
      %add3A_154 = arith.addi %add3A_153, %mul3A_146 : i32
      %get3A_155 = arith.index_cast %add3A_154 : i32 to index
      %get3A_156 = tpu.vector_load %arg5[%get3A_155] {strides = array<i32>} : memref<6144xf32, #tpu.memory_space<vmem>>, vector<16xf32>,
      %sub3A_157 = arith.subf %get3A_148, %get3A_44 : vector<16xf32>
      %sub3A_158 = arith.subf %get3A_152, %get3A_46 : vector<16xf32>
      %sub3A_159 = arith.subf %get3A_156, %get3A_48 : vector<16xf32>
      %mul3A_160 = arith.mulf %sub3A_157, %sub3A_157 : vector<16xf32>
      %mul3A_161 = arith.mulf %sub3A_158, %sub3A_158 : vector<16xf32>
      %add3A_162 = arith.addf %mul3A_160, %mul3A_161 : vector<16xf32>
      %mul3A_163 = arith.mulf %sub3A_159, %sub3A_159 : vector<16xf32>
      %add3A_164 = arith.addf %add3A_162, %mul3A_163 : vector<16xf32>
      %le3A_165 = arith.constant 1.000000e+00 : f32
      %le3A_166 = vector.broadcast %le3A_165 : f32 to vector<16xf32>
      %le3A_167 = arith.cmpf ole, %add3A_164, %le3A_166 : vector<16xf32>
      %swap3A_168 = arith.index_cast %add3A_142 : i32 to index
      %swap3A_169 = tpu.vector_load %arg6[%swap3A_168] masked %le3A_167 {strides = array<i32>} : memref<6192xf32, #tpu.memory_space<vmem>>, vector<16xf32>, vector<16xi1>
      tpu.vector_store %arg6[%swap3A_168], %sub3A_157 masked %le3A_167 {strides = array<i32>} : memref<6192xf32, #tpu.memory_space<vmem>>, vector<16xf32>, vector<16xi1>
      %add3A_170 = arith.constant 2064 : i32
      %add3A_171 = arith.addi %add3A_170, %add3A_142 : i32
      %swap3A_172 = arith.index_cast %add3A_171 : i32 to index
      %swap3A_173 = tpu.vector_load %arg6[%swap3A_172] masked %le3A_167 {strides = array<i32>} : memref<6192xf32, #tpu.memory_space<vmem>>, vector<16xf32>, vector<16xi1>
      tpu.vector_store %arg6[%swap3A_172], %sub3A_158 masked %le3A_167 {strides = array<i32>} : memref<6192xf32, #tpu.memory_space<vmem>>, vector<16xf32>, vector<16xi1>
      %add3A_174 = arith.constant 4128 : i32
      %add3A_175 = arith.addi %add3A_174, %add3A_142 : i32
      %swap3A_176 = arith.index_cast %add3A_175 : i32 to index
      %swap3A_177 = tpu.vector_load %arg6[%swap3A_176] masked %le3A_167 {strides = array<i32>} : memref<6192xf32, #tpu.memory_space<vmem>>, vector<16xf32>, vector<16xi1>
      tpu.vector_store %arg6[%swap3A_176], %sub3A_159 masked %le3A_167 {strides = array<i32>} : memref<6192xf32, #tpu.memory_space<vmem>>, vector<16xf32>, vector<16xi1>
      %all_reduce_population_count3A_178 = tpu.all_reduce %le3A_167 {dim = 0 : i64, kind = #tpu.reduction_kind<sum>} : vector<16xi1> -> vector<16xi32>
      %slice3A_179 = vector.extract_strided_slice %all_reduce_population_count3A_178 {offsets = [0], sizes = [1], strides = [1]} : vector<16xi32> to vector<1xi32>
      %squeeze3A_180 = vector.extract %slice3A_179[0] : i32 from vector<1xi32>
      %add3A_181 = arith.addi %add3A_142, %squeeze3A_180 : i32
      %scan3A_182 = arith.constant 3 : i32
      %scan3A_183 = arith.addi %scan3A_69, %scan3A_182 : i32
      %mul3A_184 = arith.constant 16 : i32
      %mul3A_185 = arith.muli %scan3A_183, %mul3A_184 : i32
      %get3A_186 = arith.index_cast %mul3A_185 : i32 to index
      %get3A_187 = tpu.vector_load %arg5[%get3A_186] {strides = array<i32>} : memref<6144xf32, #tpu.memory_space<vmem>>, vector<16xf32>,
      %add3A_188 = arith.constant 2048 : i32
      %add3A_189 = arith.addi %add3A_188, %mul3A_185 : i32
      %get3A_190 = arith.index_cast %add3A_189 : i32 to index
      %get3A_191 = tpu.vector_load %arg5[%get3A_190] {strides = array<i32>} : memref<6144xf32, #tpu.memory_space<vmem>>, vector<16xf32>,
      %add3A_192 = arith.constant 4096 : i32
      %add3A_193 = arith.addi %add3A_192, %mul3A_185 : i32
      %get3A_194 = arith.index_cast %add3A_193 : i32 to index
      %get3A_195 = tpu.vector_load %arg5[%get3A_194] {strides = array<i32>} : memref<6144xf32, #tpu.memory_space<vmem>>, vector<16xf32>,
      %sub3A_196 = arith.subf %get3A_187, %get3A_44 : vector<16xf32>
      %sub3A_197 = arith.subf %get3A_191, %get3A_46 : vector<16xf32>
      %sub3A_198 = arith.subf %get3A_195, %get3A_48 : vector<16xf32>
      %mul3A_199 = arith.mulf %sub3A_196, %sub3A_196 : vector<16xf32>
      %mul3A_200 = arith.mulf %sub3A_197, %sub3A_197 : vector<16xf32>
      %add3A_201 = arith.addf %mul3A_199, %mul3A_200 : vector<16xf32>
      %mul3A_202 = arith.mulf %sub3A_198, %sub3A_198 : vector<16xf32>
      %add3A_203 = arith.addf %add3A_201, %mul3A_202 : vector<16xf32>
      %le3A_204 = arith.constant 1.000000e+00 : f32
      %le3A_205 = vector.broadcast %le3A_204 : f32 to vector<16xf32>
      %le3A_206 = arith.cmpf ole, %add3A_203, %le3A_205 : vector<16xf32>
      %swap3A_207 = arith.index_cast %add3A_181 : i32 to index
      %swap3A_208 = tpu.vector_load %arg6[%swap3A_207] masked %le3A_206 {strides = array<i32>} : memref<6192xf32, #tpu.memory_space<vmem>>, vector<16xf32>, vector<16xi1>
      tpu.vector_store %arg6[%swap3A_207], %sub3A_196 masked %le3A_206 {strides = array<i32>} : memref<6192xf32, #tpu.memory_space<vmem>>, vector<16xf32>, vector<16xi1>
      %add3A_209 = arith.constant 2064 : i32
      %add3A_210 = arith.addi %add3A_209, %add3A_181 : i32
      %swap3A_211 = arith.index_cast %add3A_210 : i32 to index
      %swap3A_212 = tpu.vector_load %arg6[%swap3A_211] masked %le3A_206 {strides = array<i32>} : memref<6192xf32, #tpu.memory_space<vmem>>, vector<16xf32>, vector<16xi1>
      tpu.vector_store %arg6[%swap3A_211], %sub3A_197 masked %le3A_206 {strides = array<i32>} : memref<6192xf32, #tpu.memory_space<vmem>>, vector<16xf32>, vector<16xi1>
      %add3A_213 = arith.constant 4128 : i32
      %add3A_214 = arith.addi %add3A_213, %add3A_181 : i32
      %swap3A_215 = arith.index_cast %add3A_214 : i32 to index
      %swap3A_216 = tpu.vector_load %arg6[%swap3A_215] masked %le3A_206 {strides = array<i32>} : memref<6192xf32, #tpu.memory_space<vmem>>, vector<16xf32>, vector<16xi1>
      tpu.vector_store %arg6[%swap3A_215], %sub3A_198 masked %le3A_206 {strides = array<i32>} : memref<6192xf32, #tpu.memory_space<vmem>>, vector<16xf32>, vector<16xi1>
      %all_reduce_population_count3A_217 = tpu.all_reduce %le3A_206 {dim = 0 : i64, kind = #tpu.reduction_kind<sum>} : vector<16xi1> -> vector<16xi32>
      %slice3A_218 = vector.extract_strided_slice %all_reduce_population_count3A_217 {offsets = [0], sizes = [1], strides = [1]} : vector<16xi32> to vector<1xi32>
      %squeeze3A_219 = vector.extract %slice3A_218[0] : i32 from vector<1xi32>
      %add3A_220 = arith.addi %add3A_181, %squeeze3A_219 : i32
      %scan3A_221 = arith.constant 4 : i32
      %scan3A_222 = arith.addi %scan3A_69, %scan3A_221 : i32
      %mul3A_223 = arith.constant 16 : i32
      %mul3A_224 = arith.muli %scan3A_222, %mul3A_223 : i32
      %get3A_225 = arith.index_cast %mul3A_224 : i32 to index
      %get3A_226 = tpu.vector_load %arg5[%get3A_225] {strides = array<i32>} : memref<6144xf32, #tpu.memory_space<vmem>>, vector<16xf32>,
      %add3A_227 = arith.constant 2048 : i32
      %add3A_228 = arith.addi %add3A_227, %mul3A_224 : i32
      %get3A_229 = arith.index_cast %add3A_228 : i32 to index
      %get3A_230 = tpu.vector_load %arg5[%get3A_229] {strides = array<i32>} : memref<6144xf32, #tpu.memory_space<vmem>>, vector<16xf32>,
      %add3A_231 = arith.constant 4096 : i32
      %add3A_232 = arith.addi %add3A_231, %mul3A_224 : i32
      %get3A_233 = arith.index_cast %add3A_232 : i32 to index
      %get3A_234 = tpu.vector_load %arg5[%get3A_233] {strides = array<i32>} : memref<6144xf32, #tpu.memory_space<vmem>>, vector<16xf32>,
      %sub3A_235 = arith.subf %get3A_226, %get3A_44 : vector<16xf32>
      %sub3A_236 = arith.subf %get3A_230, %get3A_46 : vector<16xf32>
      %sub3A_237 = arith.subf %get3A_234, %get3A_48 : vector<16xf32>
      %mul3A_238 = arith.mulf %sub3A_235, %sub3A_235 : vector<16xf32>
      %mul3A_239 = arith.mulf %sub3A_236, %sub3A_236 : vector<16xf32>
      %add3A_240 = arith.addf %mul3A_238, %mul3A_239 : vector<16xf32>
      %mul3A_241 = arith.mulf %sub3A_237, %sub3A_237 : vector<16xf32>
      %add3A_242 = arith.addf %add3A_240, %mul3A_241 : vector<16xf32>
      %le3A_243 = arith.constant 1.000000e+00 : f32
      %le3A_244 = vector.broadcast %le3A_243 : f32 to vector<16xf32>
      %le3A_245 = arith.cmpf ole, %add3A_242, %le3A_244 : vector<16xf32>
      %swap3A_246 = arith.index_cast %add3A_220 : i32 to index
      %swap3A_247 = tpu.vector_load %arg6[%swap3A_246] masked %le3A_245 {strides = array<i32>} : memref<6192xf32, #tpu.memory_space<vmem>>, vector<16xf32>, vector<16xi1>
      tpu.vector_store %arg6[%swap3A_246], %sub3A_235 masked %le3A_245 {strides = array<i32>} : memref<6192xf32, #tpu.memory_space<vmem>>, vector<16xf32>, vector<16xi1>
      %add3A_248 = arith.constant 2064 : i32
      %add3A_249 = arith.addi %add3A_248, %add3A_220 : i32
      %swap3A_250 = arith.index_cast %add3A_249 : i32 to index
      %swap3A_251 = tpu.vector_load %arg6[%swap3A_250] masked %le3A_245 {strides = array<i32>} : memref<6192xf32, #tpu.memory_space<vmem>>, vector<16xf32>, vector<16xi1>
      tpu.vector_store %arg6[%swap3A_250], %sub3A_236 masked %le3A_245 {strides = array<i32>} : memref<6192xf32, #tpu.memory_space<vmem>>, vector<16xf32>, vector<16xi1>
      %add3A_252 = arith.constant 4128 : i32
      %add3A_253 = arith.addi %add3A_252, %add3A_220 : i32
      %swap3A_254 = arith.index_cast %add3A_253 : i32 to index
      %swap3A_255 = tpu.vector_load %arg6[%swap3A_254] masked %le3A_245 {strides = array<i32>} : memref<6192xf32, #tpu.memory_space<vmem>>, vector<16xf32>, vector<16xi1>
      tpu.vector_store %arg6[%swap3A_254], %sub3A_237 masked %le3A_245 {strides = array<i32>} : memref<6192xf32, #tpu.memory_space<vmem>>, vector<16xf32>, vector<16xi1>
      %all_reduce_population_count3A_256 = tpu.all_reduce %le3A_245 {dim = 0 : i64, kind = #tpu.reduction_kind<sum>} : vector<16xi1> -> vector<16xi32>
      %slice3A_257 = vector.extract_strided_slice %all_reduce_population_count3A_256 {offsets = [0], sizes = [1], strides = [1]} : vector<16xi32> to vector<1xi32>
      %squeeze3A_258 = vector.extract %slice3A_257[0] : i32 from vector<1xi32>
      %add3A_259 = arith.addi %add3A_220, %squeeze3A_258 : i32
      %scan3A_260 = arith.constant 5 : i32
      %scan3A_261 = arith.addi %scan3A_69, %scan3A_260 : i32
      %mul3A_262 = arith.constant 16 : i32
      %mul3A_263 = arith.muli %scan3A_261, %mul3A_262 : i32
      %get3A_264 = arith.index_cast %mul3A_263 : i32 to index
      %get3A_265 = tpu.vector_load %arg5[%get3A_264] {strides = array<i32>} : memref<6144xf32, #tpu.memory_space<vmem>>, vector<16xf32>,
      %add3A_266 = arith.constant 2048 : i32
      %add3A_267 = arith.addi %add3A_266, %mul3A_263 : i32
      %get3A_268 = arith.index_cast %add3A_267 : i32 to index
      %get3A_269 = tpu.vector_load %arg5[%get3A_268] {strides = array<i32>} : memref<6144xf32, #tpu.memory_space<vmem>>, vector<16xf32>,
      %add3A_270 = arith.constant 4096 : i32
      %add3A_271 = arith.addi %add3A_270, %mul3A_263 : i32
      %get3A_272 = arith.index_cast %add3A_271 : i32 to index
      %get3A_273 = tpu.vector_load %arg5[%get3A_272] {strides = array<i32>} : memref<6144xf32, #tpu.memory_space<vmem>>, vector<16xf32>,
      %sub3A_274 = arith.subf %get3A_265, %get3A_44 : vector<16xf32>
      %sub3A_275 = arith.subf %get3A_269, %get3A_46 : vector<16xf32>
      %sub3A_276 = arith.subf %get3A_273, %get3A_48 : vector<16xf32>
      %mul3A_277 = arith.mulf %sub3A_274, %sub3A_274 : vector<16xf32>
      %mul3A_278 = arith.mulf %sub3A_275, %sub3A_275 : vector<16xf32>
      %add3A_279 = arith.addf %mul3A_277, %mul3A_278 : vector<16xf32>
      %mul3A_280 = arith.mulf %sub3A_276, %sub3A_276 : vector<16xf32>
      %add3A_281 = arith.addf %add3A_279, %mul3A_280 : vector<16xf32>
      %le3A_282 = arith.constant 1.000000e+00 : f32
      %le3A_283 = vector.broadcast %le3A_282 : f32 to vector<16xf32>
      %le3A_284 = arith.cmpf ole, %add3A_281, %le3A_283 : vector<16xf32>
      %swap3A_285 = arith.index_cast %add3A_259 : i32 to index
      %swap3A_286 = tpu.vector_load %arg6[%swap3A_285] masked %le3A_284 {strides = array<i32>} : memref<6192xf32, #tpu.memory_space<vmem>>, vector<16xf32>, vector<16xi1>
      tpu.vector_store %arg6[%swap3A_285], %sub3A_274 masked %le3A_284 {strides = array<i32>} : memref<6192xf32, #tpu.memory_space<vmem>>, vector<16xf32>, vector<16xi1>
      %add3A_287 = arith.constant 2064 : i32
      %add3A_288 = arith.addi %add3A_287, %add3A_259 : i32
      %swap3A_289 = arith.index_cast %add3A_288 : i32 to index
      %swap3A_290 = tpu.vector_load %arg6[%swap3A_289] masked %le3A_284 {strides = array<i32>} : memref<6192xf32, #tpu.memory_space<vmem>>, vector<16xf32>, vector<16xi1>
      tpu.vector_store %arg6[%swap3A_289], %sub3A_275 masked %le3A_284 {strides = array<i32>} : memref<6192xf32, #tpu.memory_space<vmem>>, vector<16xf32>, vector<16xi1>
      %add3A_291 = arith.constant 4128 : i32
      %add3A_292 = arith.addi %add3A_291, %add3A_259 : i32
      %swap3A_293 = arith.index_cast %add3A_292 : i32 to index
      %swap3A_294 = tpu.vector_load %arg6[%swap3A_293] masked %le3A_284 {strides = array<i32>} : memref<6192xf32, #tpu.memory_space<vmem>>, vector<16xf32>, vector<16xi1>
      tpu.vector_store %arg6[%swap3A_293], %sub3A_276 masked %le3A_284 {strides = array<i32>} : memref<6192xf32, #tpu.memory_space<vmem>>, vector<16xf32>, vector<16xi1>
      %all_reduce_population_count3A_295 = tpu.all_reduce %le3A_284 {dim = 0 : i64, kind = #tpu.reduction_kind<sum>} : vector<16xi1> -> vector<16xi32>
      %slice3A_296 = vector.extract_strided_slice %all_reduce_population_count3A_295 {offsets = [0], sizes = [1], strides = [1]} : vector<16xi32> to vector<1xi32>
      %squeeze3A_297 = vector.extract %slice3A_296[0] : i32 from vector<1xi32>
      %add3A_298 = arith.addi %add3A_259, %squeeze3A_297 : i32
      %scan3A_299 = arith.constant 6 : i32
      %scan3A_300 = arith.addi %scan3A_69, %scan3A_299 : i32
      %mul3A_301 = arith.constant 16 : i32
      %mul3A_302 = arith.muli %scan3A_300, %mul3A_301 : i32
      %get3A_303 = arith.index_cast %mul3A_302 : i32 to index
      %get3A_304 = tpu.vector_load %arg5[%get3A_303] {strides = array<i32>} : memref<6144xf32, #tpu.memory_space<vmem>>, vector<16xf32>,
      %add3A_305 = arith.constant 2048 : i32
      %add3A_306 = arith.addi %add3A_305, %mul3A_302 : i32
      %get3A_307 = arith.index_cast %add3A_306 : i32 to index
      %get3A_308 = tpu.vector_load %arg5[%get3A_307] {strides = array<i32>} : memref<6144xf32, #tpu.memory_space<vmem>>, vector<16xf32>,
      %add3A_309 = arith.constant 4096 : i32
      %add3A_310 = arith.addi %add3A_309, %mul3A_302 : i32
      %get3A_311 = arith.index_cast %add3A_310 : i32 to index
      %get3A_312 = tpu.vector_load %arg5[%get3A_311] {strides = array<i32>} : memref<6144xf32, #tpu.memory_space<vmem>>, vector<16xf32>,
      %sub3A_313 = arith.subf %get3A_304, %get3A_44 : vector<16xf32>
      %sub3A_314 = arith.subf %get3A_308, %get3A_46 : vector<16xf32>
      %sub3A_315 = arith.subf %get3A_312, %get3A_48 : vector<16xf32>
      %mul3A_316 = arith.mulf %sub3A_313, %sub3A_313 : vector<16xf32>
      %mul3A_317 = arith.mulf %sub3A_314, %sub3A_314 : vector<16xf32>
      %add3A_318 = arith.addf %mul3A_316, %mul3A_317 : vector<16xf32>
      %mul3A_319 = arith.mulf %sub3A_315, %sub3A_315 : vector<16xf32>
      %add3A_320 = arith.addf %add3A_318, %mul3A_319 : vector<16xf32>
      %le3A_321 = arith.constant 1.000000e+00 : f32
      %le3A_322 = vector.broadcast %le3A_321 : f32 to vector<16xf32>
      %le3A_323 = arith.cmpf ole, %add3A_320, %le3A_322 : vector<16xf32>
      %swap3A_324 = arith.index_cast %add3A_298 : i32 to index
      %swap3A_325 = tpu.vector_load %arg6[%swap3A_324] masked %le3A_323 {strides = array<i32>} : memref<6192xf32, #tpu.memory_space<vmem>>, vector<16xf32>, vector<16xi1>
      tpu.vector_store %arg6[%swap3A_324], %sub3A_313 masked %le3A_323 {strides = array<i32>} : memref<6192xf32, #tpu.memory_space<vmem>>, vector<16xf32>, vector<16xi1>
      %add3A_326 = arith.constant 2064 : i32
      %add3A_327 = arith.addi %add3A_326, %add3A_298 : i32
      %swap3A_328 = arith.index_cast %add3A_327 : i32 to index
      %swap3A_329 = tpu.vector_load %arg6[%swap3A_328] masked %le3A_323 {strides = array<i32>} : memref<6192xf32, #tpu.memory_space<vmem>>, vector<16xf32>, vector<16xi1>
      tpu.vector_store %arg6[%swap3A_328], %sub3A_314 masked %le3A_323 {strides = array<i32>} : memref<6192xf32, #tpu.memory_space<vmem>>, vector<16xf32>, vector<16xi1>
      %add3A_330 = arith.constant 4128 : i32
      %add3A_331 = arith.addi %add3A_330, %add3A_298 : i32
      %swap3A_332 = arith.index_cast %add3A_331 : i32 to index
      %swap3A_333 = tpu.vector_load %arg6[%swap3A_332] masked %le3A_323 {strides = array<i32>} : memref<6192xf32, #tpu.memory_space<vmem>>, vector<16xf32>, vector<16xi1>
      tpu.vector_store %arg6[%swap3A_332], %sub3A_315 masked %le3A_323 {strides = array<i32>} : memref<6192xf32, #tpu.memory_space<vmem>>, vector<16xf32>, vector<16xi1>
      %all_reduce_population_count3A_334 = tpu.all_reduce %le3A_323 {dim = 0 : i64, kind = #tpu.reduction_kind<sum>} : vector<16xi1> -> vector<16xi32>
      %slice3A_335 = vector.extract_strided_slice %all_reduce_population_count3A_334 {offsets = [0], sizes = [1], strides = [1]} : vector<16xi32> to vector<1xi32>
      %squeeze3A_336 = vector.extract %slice3A_335[0] : i32 from vector<1xi32>
      %add3A_337 = arith.addi %add3A_298, %squeeze3A_336 : i32
      %scan3A_338 = arith.constant 7 : i32
      %scan3A_339 = arith.addi %scan3A_69, %scan3A_338 : i32
      %mul3A_340 = arith.constant 16 : i32
      %mul3A_341 = arith.muli %scan3A_339, %mul3A_340 : i32
      %get3A_342 = arith.index_cast %mul3A_341 : i32 to index
      %get3A_343 = tpu.vector_load %arg5[%get3A_342] {strides = array<i32>} : memref<6144xf32, #tpu.memory_space<vmem>>, vector<16xf32>,
      %add3A_344 = arith.constant 2048 : i32
      %add3A_345 = arith.addi %add3A_344, %mul3A_341 : i32
      %get3A_346 = arith.index_cast %add3A_345 : i32 to index
      %get3A_347 = tpu.vector_load %arg5[%get3A_346] {strides = array<i32>} : memref<6144xf32, #tpu.memory_space<vmem>>, vector<16xf32>,
      %add3A_348 = arith.constant 4096 : i32
      %add3A_349 = arith.addi %add3A_348, %mul3A_341 : i32
      %get3A_350 = arith.index_cast %add3A_349 : i32 to index
      %get3A_351 = tpu.vector_load %arg5[%get3A_350] {strides = array<i32>} : memref<6144xf32, #tpu.memory_space<vmem>>, vector<16xf32>,
      %sub3A_352 = arith.subf %get3A_343, %get3A_44 : vector<16xf32>
      %sub3A_353 = arith.subf %get3A_347, %get3A_46 : vector<16xf32>
      %sub3A_354 = arith.subf %get3A_351, %get3A_48 : vector<16xf32>
      %mul3A_355 = arith.mulf %sub3A_352, %sub3A_352 : vector<16xf32>
      %mul3A_356 = arith.mulf %sub3A_353, %sub3A_353 : vector<16xf32>
      %add3A_357 = arith.addf %mul3A_355, %mul3A_356 : vector<16xf32>
      %mul3A_358 = arith.mulf %sub3A_354, %sub3A_354 : vector<16xf32>
      %add3A_359 = arith.addf %add3A_357, %mul3A_358 : vector<16xf32>
      %le3A_360 = arith.constant 1.000000e+00 : f32
      %le3A_361 = vector.broadcast %le3A_360 : f32 to vector<16xf32>
      %le3A_362 = arith.cmpf ole, %add3A_359, %le3A_361 : vector<16xf32>
      %swap3A_363 = arith.index_cast %add3A_337 : i32 to index
      %swap3A_364 = tpu.vector_load %arg6[%swap3A_363] masked %le3A_362 {strides = array<i32>} : memref<6192xf32, #tpu.memory_space<vmem>>, vector<16xf32>, vector<16xi1>
      tpu.vector_store %arg6[%swap3A_363], %sub3A_352 masked %le3A_362 {strides = array<i32>} : memref<6192xf32, #tpu.memory_space<vmem>>, vector<16xf32>, vector<16xi1>
      %add3A_365 = arith.constant 2064 : i32
      %add3A_366 = arith.addi %add3A_365, %add3A_337 : i32
      %swap3A_367 = arith.index_cast %add3A_366 : i32 to index
      %swap3A_368 = tpu.vector_load %arg6[%swap3A_367] masked %le3A_362 {strides = array<i32>} : memref<6192xf32, #tpu.memory_space<vmem>>, vector<16xf32>, vector<16xi1>
      tpu.vector_store %arg6[%swap3A_367], %sub3A_353 masked %le3A_362 {strides = array<i32>} : memref<6192xf32, #tpu.memory_space<vmem>>, vector<16xf32>, vector<16xi1>
      %add3A_369 = arith.constant 4128 : i32
      %add3A_370 = arith.addi %add3A_369, %add3A_337 : i32
      %swap3A_371 = arith.index_cast %add3A_370 : i32 to index
      %swap3A_372 = tpu.vector_load %arg6[%swap3A_371] masked %le3A_362 {strides = array<i32>} : memref<6192xf32, #tpu.memory_space<vmem>>, vector<16xf32>, vector<16xi1>
      tpu.vector_store %arg6[%swap3A_371], %sub3A_354 masked %le3A_362 {strides = array<i32>} : memref<6192xf32, #tpu.memory_space<vmem>>, vector<16xf32>, vector<16xi1>
      %all_reduce_population_count3A_373 = tpu.all_reduce %le3A_362 {dim = 0 : i64, kind = #tpu.reduction_kind<sum>} : vector<16xi1> -> vector<16xi32>
      %slice3A_374 = vector.extract_strided_slice %all_reduce_population_count3A_373 {offsets = [0], sizes = [1], strides = [1]} : vector<16xi32> to vector<1xi32>
      %squeeze3A_375 = vector.extract %slice3A_374[0] : i32 from vector<1xi32>
      %add3A_376 = arith.addi %add3A_337, %squeeze3A_375 : i32
      scf.yield %add3A_376 : i32
    }
    %scan3A_54 = arith.constant 128 : i32
    %add3A_55 = vector.broadcast %scan3A_53 : i32 to vector<16xi32>
    %add3A_56 = arith.addi %broadcast_in_dim3A_43, %add3A_55 : vector<16xi32>
    %swap3A = arith.constant 0 : index
    %swap3A_57 = tpu.vector_load %arg10[%swap3A] {strides = array<i32>} : memref<16xi32, #tpu.memory_space<vmem>>, vector<16xi32>,
    tpu.vector_store %arg10[%swap3A], %add3A_56 {strides = array<i32>} : memref<16xi32, #tpu.memory_space<vmem>>, vector<16xi32>,
    %mul3A_58 = arith.constant 1536 : i32
    %mul3A_59 = arith.muli %arg1, %mul3A_58 : i32
    "tpu.region"() ({
      %run_scoped3A = tpu.sem_alloc : memref<!tpu.dma_semaphore, #tpu.memory_space<semaphore_mem>>
      %dma_start3A = arith.constant 0 : i32
      %dma_start3A_69 = tpu.memref_slice %arg6[%dma_start3A] : memref<6192xf32, #tpu.memory_space<vmem>> -> memref<512xf32, #tpu.memory_space<vmem>>
      %dma_start3A_70 = tpu.memref_slice %arg11[%mul3A_59] : memref<24576xf32, #tpu.memory_space<vmem_shared>> -> memref<512xf32, #tpu.memory_space<vmem_shared>>
      %dma_start3A_71 = tpu.memref_slice %arg11[%mul3A_59] : memref<24576xf32, #tpu.memory_space<vmem_shared>> -> memref<512xf32, #tpu.memory_space<vmem_shared>>
      %dma_start3A_72 = arith.constant 0 : i32
      %dma_start3A_73 = tpu.memref_slice %arg6[%dma_start3A_72] : memref<6192xf32, #tpu.memory_space<vmem>> -> memref<512xf32, #tpu.memory_space<vmem>>
      tpu.enqueue_dma source(%dma_start3A_73 : memref<512xf32, #tpu.memory_space<vmem>>) target(%dma_start3A_71 : memref<512xf32, #tpu.memory_space<vmem_shared>>) target_semaphore(%run_scoped3A : memref<!tpu.dma_semaphore, #tpu.memory_space<semaphore_mem>>)
      %dma_wait3A = arith.constant 0 : i32
      %dma_wait3A_74 = tpu.memref_slice %arg6[%dma_wait3A] : memref<6192xf32, #tpu.memory_space<vmem>> -> memref<512xf32, #tpu.memory_space<vmem>>
      %dma_wait3A_75 = tpu.memref_slice %arg11[%mul3A_59] : memref<24576xf32, #tpu.memory_space<vmem_shared>> -> memref<512xf32, #tpu.memory_space<vmem_shared>>
      %dma_wait3A_76 = tpu.memref_slice %arg11[%mul3A_59] : memref<24576xf32, #tpu.memory_space<vmem_shared>> -> memref<512xf32, #tpu.memory_space<vmem_shared>>
      %dma_wait3A_77 = arith.constant 0 : i32
      %dma_wait3A_78 = tpu.memref_slice %arg6[%dma_wait3A_77] : memref<6192xf32, #tpu.memory_space<vmem>> -> memref<512xf32, #tpu.memory_space<vmem>>
      tpu.wait_dma2 semaphore(%run_scoped3A : memref<!tpu.dma_semaphore, #tpu.memory_space<semaphore_mem>>) src(%dma_wait3A_78 : memref<512xf32, #tpu.memory_space<vmem>>) dst(%dma_wait3A_76 : memref<512xf32, #tpu.memory_space<vmem_shared>>)
      tpu.yield
    }) : () -> ()
    %add3A_60 = arith.constant 512 : i32
    %add3A_61 = arith.addi %mul3A_59, %add3A_60 : i32
    "tpu.region"() ({
      %run_scoped3A = tpu.sem_alloc : memref<!tpu.dma_semaphore, #tpu.memory_space<semaphore_mem>>
      %dma_start3A = arith.constant 2064 : i32
      %dma_start3A_69 = tpu.memref_slice %arg6[%dma_start3A] : memref<6192xf32, #tpu.memory_space<vmem>> -> memref<512xf32, #tpu.memory_space<vmem>>
      %dma_start3A_70 = tpu.memref_slice %arg11[%add3A_61] : memref<24576xf32, #tpu.memory_space<vmem_shared>> -> memref<512xf32, #tpu.memory_space<vmem_shared>>
      %dma_start3A_71 = tpu.memref_slice %arg11[%add3A_61] : memref<24576xf32, #tpu.memory_space<vmem_shared>> -> memref<512xf32, #tpu.memory_space<vmem_shared>>
      %dma_start3A_72 = arith.constant 2064 : i32
      %dma_start3A_73 = tpu.memref_slice %arg6[%dma_start3A_72] : memref<6192xf32, #tpu.memory_space<vmem>> -> memref<512xf32, #tpu.memory_space<vmem>>
      tpu.enqueue_dma source(%dma_start3A_73 : memref<512xf32, #tpu.memory_space<vmem>>) target(%dma_start3A_71 : memref<512xf32, #tpu.memory_space<vmem_shared>>) target_semaphore(%run_scoped3A : memref<!tpu.dma_semaphore, #tpu.memory_space<semaphore_mem>>)
      %dma_wait3A = arith.constant 2064 : i32
      %dma_wait3A_74 = tpu.memref_slice %arg6[%dma_wait3A] : memref<6192xf32, #tpu.memory_space<vmem>> -> memref<512xf32, #tpu.memory_space<vmem>>
      %dma_wait3A_75 = tpu.memref_slice %arg11[%add3A_61] : memref<24576xf32, #tpu.memory_space<vmem_shared>> -> memref<512xf32, #tpu.memory_space<vmem_shared>>
      %dma_wait3A_76 = tpu.memref_slice %arg11[%add3A_61] : memref<24576xf32, #tpu.memory_space<vmem_shared>> -> memref<512xf32, #tpu.memory_space<vmem_shared>>
      %dma_wait3A_77 = arith.constant 2064 : i32
      %dma_wait3A_78 = tpu.memref_slice %arg6[%dma_wait3A_77] : memref<6192xf32, #tpu.memory_space<vmem>> -> memref<512xf32, #tpu.memory_space<vmem>>
      tpu.wait_dma2 semaphore(%run_scoped3A : memref<!tpu.dma_semaphore, #tpu.memory_space<semaphore_mem>>) src(%dma_wait3A_78 : memref<512xf32, #tpu.memory_space<vmem>>) dst(%dma_wait3A_76 : memref<512xf32, #tpu.memory_space<vmem_shared>>)
      tpu.yield
    }) : () -> ()
    %add3A_62 = arith.constant 1024 : i32
    %add3A_63 = arith.addi %mul3A_59, %add3A_62 : i32
    "tpu.region"() ({
      %run_scoped3A = tpu.sem_alloc : memref<!tpu.dma_semaphore, #tpu.memory_space<semaphore_mem>>
      %dma_start3A = arith.constant 4128 : i32
      %dma_start3A_69 = tpu.memref_slice %arg6[%dma_start3A] : memref<6192xf32, #tpu.memory_space<vmem>> -> memref<512xf32, #tpu.memory_space<vmem>>
      %dma_start3A_70 = tpu.memref_slice %arg11[%add3A_63] : memref<24576xf32, #tpu.memory_space<vmem_shared>> -> memref<512xf32, #tpu.memory_space<vmem_shared>>
      %dma_start3A_71 = tpu.memref_slice %arg11[%add3A_63] : memref<24576xf32, #tpu.memory_space<vmem_shared>> -> memref<512xf32, #tpu.memory_space<vmem_shared>>
      %dma_start3A_72 = arith.constant 4128 : i32
      %dma_start3A_73 = tpu.memref_slice %arg6[%dma_start3A_72] : memref<6192xf32, #tpu.memory_space<vmem>> -> memref<512xf32, #tpu.memory_space<vmem>>
      tpu.enqueue_dma source(%dma_start3A_73 : memref<512xf32, #tpu.memory_space<vmem>>) target(%dma_start3A_71 : memref<512xf32, #tpu.memory_space<vmem_shared>>) target_semaphore(%run_scoped3A : memref<!tpu.dma_semaphore, #tpu.memory_space<semaphore_mem>>)
      %dma_wait3A = arith.constant 4128 : i32
      %dma_wait3A_74 = tpu.memref_slice %arg6[%dma_wait3A] : memref<6192xf32, #tpu.memory_space<vmem>> -> memref<512xf32, #tpu.memory_space<vmem>>
      %dma_wait3A_75 = tpu.memref_slice %arg11[%add3A_63] : memref<24576xf32, #tpu.memory_space<vmem_shared>> -> memref<512xf32, #tpu.memory_space<vmem_shared>>
      %dma_wait3A_76 = tpu.memref_slice %arg11[%add3A_63] : memref<24576xf32, #tpu.memory_space<vmem_shared>> -> memref<512xf32, #tpu.memory_space<vmem_shared>>
      %dma_wait3A_77 = arith.constant 4128 : i32
      %dma_wait3A_78 = tpu.memref_slice %arg6[%dma_wait3A_77] : memref<6192xf32, #tpu.memory_space<vmem>> -> memref<512xf32, #tpu.memory_space<vmem>>
      tpu.wait_dma2 semaphore(%run_scoped3A : memref<!tpu.dma_semaphore, #tpu.memory_space<semaphore_mem>>) src(%dma_wait3A_78 : memref<512xf32, #tpu.memory_space<vmem>>) dst(%dma_wait3A_76 : memref<512xf32, #tpu.memory_space<vmem_shared>>)
      tpu.yield
    }) : () -> ()
    %mul3A_64 = arith.constant 16 : i32
    %mul3A_65 = arith.muli %arg1, %mul3A_64 : i32
    "tpu.region"() ({
      %run_scoped3A = tpu.sem_alloc : memref<!tpu.dma_semaphore, #tpu.memory_space<semaphore_mem>>
      %dma_start3A = tpu.memref_slice %arg12[%mul3A_65] : memref<256xi32, #tpu.memory_space<vmem_shared>> -> memref<16xi32, #tpu.memory_space<vmem_shared>>
      %dma_start3A_69 = tpu.memref_slice %arg12[%mul3A_65] : memref<256xi32, #tpu.memory_space<vmem_shared>> -> memref<16xi32, #tpu.memory_space<vmem_shared>>
      tpu.enqueue_dma source(%arg10 : memref<16xi32, #tpu.memory_space<vmem>>) target(%dma_start3A_69 : memref<16xi32, #tpu.memory_space<vmem_shared>>) target_semaphore(%run_scoped3A : memref<!tpu.dma_semaphore, #tpu.memory_space<semaphore_mem>>)
      %dma_wait3A = tpu.memref_slice %arg12[%mul3A_65] : memref<256xi32, #tpu.memory_space<vmem_shared>> -> memref<16xi32, #tpu.memory_space<vmem_shared>>
      %dma_wait3A_70 = tpu.memref_slice %arg12[%mul3A_65] : memref<256xi32, #tpu.memory_space<vmem_shared>> -> memref<16xi32, #tpu.memory_space<vmem_shared>>
      tpu.wait_dma2 semaphore(%run_scoped3A : memref<!tpu.dma_semaphore, #tpu.memory_space<semaphore_mem>>) src(%arg10 : memref<16xi32, #tpu.memory_space<vmem>>) dst(%dma_wait3A_70 : memref<16xi32, #tpu.memory_space<vmem_shared>>)
      tpu.yield
    }) : () -> ()
    %barrier3A = arith.constant 0 : index
    tpu.barrier barrier_id(%barrier3A)
    %eq3A_66 = arith.constant 0 : i32
    %eq3A_67 = arith.cmpi eq, %select_n3A_28, %eq3A_66 : i32
    %convert_element_type3A = arith.extui %eq3A_67 : i1 to i32
    %cond3A = arith.constant 0 : i32
    %cond3A_68 = arith.cmpi ne, %convert_element_type3A, %cond3A : i32
    scf.if %cond3A_68 {
      %add3A_69 = arith.constant 1 : i32
      %add3A_70 = arith.addi %arg1, %add3A_69 : i32
      %mul3A_71 = arith.constant 1536 : i32
      %mul3A_72 = arith.muli %add3A_70, %mul3A_71 : i32
      "tpu.region"() ({
        %run_scoped3A = tpu.sem_alloc : memref<!tpu.dma_semaphore, #tpu.memory_space<semaphore_mem>>
        %dma_start3A = tpu.memref_slice %arg11[%mul3A_72] : memref<24576xf32, #tpu.memory_space<vmem_shared>> -> memref<1536xf32, #tpu.memory_space<vmem_shared>>
        %dma_start3A_86 = tpu.memref_slice %arg11[%mul3A_72] : memref<24576xf32, #tpu.memory_space<vmem_shared>> -> memref<1536xf32, #tpu.memory_space<vmem_shared>>
        tpu.enqueue_dma source(%dma_start3A_86 : memref<1536xf32, #tpu.memory_space<vmem_shared>>) target(%arg7 : memref<1536xf32, #tpu.memory_space<vmem>>) target_semaphore(%run_scoped3A : memref<!tpu.dma_semaphore, #tpu.memory_space<semaphore_mem>>)
        %dma_wait3A = tpu.memref_slice %arg11[%mul3A_72] : memref<24576xf32, #tpu.memory_space<vmem_shared>> -> memref<1536xf32, #tpu.memory_space<vmem_shared>>
        %dma_wait3A_87 = tpu.memref_slice %arg11[%mul3A_72] : memref<24576xf32, #tpu.memory_space<vmem_shared>> -> memref<1536xf32, #tpu.memory_space<vmem_shared>>
        tpu.wait_dma2 semaphore(%run_scoped3A : memref<!tpu.dma_semaphore, #tpu.memory_space<semaphore_mem>>) src(%dma_wait3A_87 : memref<1536xf32, #tpu.memory_space<vmem_shared>>) dst(%arg7 : memref<1536xf32, #tpu.memory_space<vmem>>)
        tpu.yield
      }) : () -> ()
      %add3A_73 = arith.constant 1 : i32
      %add3A_74 = arith.addi %arg1, %add3A_73 : i32
      %mul3A_75 = arith.constant 16 : i32
      %mul3A_76 = arith.muli %add3A_74, %mul3A_75 : i32
      "tpu.region"() ({
        %run_scoped3A = tpu.sem_alloc : memref<!tpu.dma_semaphore, #tpu.memory_space<semaphore_mem>>
        %dma_start3A = tpu.memref_slice %arg12[%mul3A_76] : memref<256xi32, #tpu.memory_space<vmem_shared>> -> memref<16xi32, #tpu.memory_space<vmem_shared>>
        %dma_start3A_86 = tpu.memref_slice %arg12[%mul3A_76] : memref<256xi32, #tpu.memory_space<vmem_shared>> -> memref<16xi32, #tpu.memory_space<vmem_shared>>
        tpu.enqueue_dma source(%dma_start3A_86 : memref<16xi32, #tpu.memory_space<vmem_shared>>) target(%arg10 : memref<16xi32, #tpu.memory_space<vmem>>) target_semaphore(%run_scoped3A : memref<!tpu.dma_semaphore, #tpu.memory_space<semaphore_mem>>)
        %dma_wait3A = tpu.memref_slice %arg12[%mul3A_76] : memref<256xi32, #tpu.memory_space<vmem_shared>> -> memref<16xi32, #tpu.memory_space<vmem_shared>>
        %dma_wait3A_87 = tpu.memref_slice %arg12[%mul3A_76] : memref<256xi32, #tpu.memory_space<vmem_shared>> -> memref<16xi32, #tpu.memory_space<vmem_shared>>
        tpu.wait_dma2 semaphore(%run_scoped3A : memref<!tpu.dma_semaphore, #tpu.memory_space<semaphore_mem>>) src(%dma_wait3A_87 : memref<16xi32, #tpu.memory_space<vmem_shared>>) dst(%arg10 : memref<16xi32, #tpu.memory_space<vmem>>)
        tpu.yield
      }) : () -> ()
      %get3A_77 = arith.constant 0 : index
      %get3A_78 = tpu.vector_load %arg10[%get3A_77] {strides = array<i32>} : memref<16xi32, #tpu.memory_space<vmem>>, vector<16xi32>,
      %add3A_79 = arith.addi %add3A_56, %get3A_78 : vector<16xi32>
      %scan3A_80 = arith.constant 0 : i32
      %scan3A_81 = arith.constant 0 : i32
      %scan3A_82 = arith.constant 32 : i32
      %scan3A_83 = arith.addi %scan3A_81, %scan3A_82 : i32
      %scan3A_84 = arith.constant 4 : i32
      scf.for %scan3A_86 = %scan3A_81 to %scan3A_83 step %scan3A_84  : i32 {
        %mul3A_87 = arith.constant 16 : i32
        %mul3A_88 = arith.muli %scan3A_86, %mul3A_87 : i32
        %add3A_89 = vector.broadcast %mul3A_88 : i32 to vector<16xi32>
        %add3A_90 = arith.addi %iota3A, %add3A_89 : vector<16xi32>
        %lt3A_91 = arith.cmpi slt, %add3A_90, %add3A_56 : vector<16xi32>
        %not3A = arith.constant dense<true> : vector<16xi1>
        %not3A_92 = arith.xori %lt3A_91, %not3A : vector<16xi1>
        %lt3A_93 = arith.cmpi slt, %add3A_90, %add3A_79 : vector<16xi32>
        %and3A_94 = arith.andi %not3A_92, %lt3A_93 : vector<16xi1>
        %sub3A_95 = arith.subi %add3A_90, %add3A_56 : vector<16xi32>
        %jit3A_96 = arith.constant 0 : i32
        %jit3A_97 = arith.constant 511 : i32
        %max3A = vector.broadcast %jit3A_96 : i32 to vector<16xi32>
        %max3A_98 = arith.maxsi %max3A, %sub3A_95 : vector<16xi32>
        %min3A = vector.broadcast %jit3A_97 : i32 to vector<16xi32>
        %min3A_99 = arith.minsi %min3A, %max3A_98 : vector<16xi32>
        %mul3A_100 = arith.constant 3 : i32
        %mul3A_101 = vector.broadcast %mul3A_100 : i32 to vector<16xi32>
        %mul3A_102 = arith.muli %add3A_90, %mul3A_101 : vector<16xi32>
        %add3A_103 = arith.constant 0 : i32
        %add3A_104 = vector.broadcast %add3A_103 : i32 to vector<16xi32>
        %add3A_105 = arith.addi %add3A_90, %add3A_104 : vector<16xi32>
        %gather3A = tpu.vector_load_idx %arg6[%add3A_105] : memref<6192xf32, #tpu.memory_space<vmem>>[vector<16xi32>], vector<16xf32>,
        %add3A_106 = arith.constant 0 : i32
        %add3A_107 = vector.broadcast %add3A_106 : i32 to vector<16xi32>
        %add3A_108 = arith.addi %min3A_99, %add3A_107 : vector<16xi32>
        %gather3A_109 = tpu.vector_load_idx %arg7[%add3A_108] : memref<1536xf32, #tpu.memory_space<vmem>>[vector<16xi32>], vector<16xf32>,
        %jit3A_110 = arith.constant 0.000000e+00 : f32
        %broadcast_in_dim3A_111 = vector.broadcast %jit3A_110 : f32 to vector<16xf32>
        %select_n3A_112 = arith.select %and3A_94, %gather3A_109, %broadcast_in_dim3A_111 : vector<16xi1>, vector<16xf32>
        %select_n3A_113 = arith.select %lt3A_91, %gather3A, %select_n3A_112 : vector<16xi1>, vector<16xf32>
        %add3A_114 = arith.constant 0 : i32
        %add3A_115 = vector.broadcast %add3A_114 : i32 to vector<16xi32>
        %add3A_116 = arith.addi %mul3A_102, %add3A_115 : vector<16xi32>
        tpu.vector_store_idx %arg8[%add3A_116], %select_n3A_113 : memref<1536xf32, #tpu.memory_space<vmem>>[vector<16xi32>], vector<16xf32>,
        %add3A_117 = arith.constant 2064 : i32
        %add3A_118 = vector.broadcast %add3A_117 : i32 to vector<16xi32>
        %add3A_119 = arith.addi %add3A_90, %add3A_118 : vector<16xi32>
        %gather3A_120 = tpu.vector_load_idx %arg6[%add3A_119] : memref<6192xf32, #tpu.memory_space<vmem>>[vector<16xi32>], vector<16xf32>,
        %add3A_121 = arith.constant 512 : i32
        %add3A_122 = vector.broadcast %add3A_121 : i32 to vector<16xi32>
        %add3A_123 = arith.addi %min3A_99, %add3A_122 : vector<16xi32>
        %gather3A_124 = tpu.vector_load_idx %arg7[%add3A_123] : memref<1536xf32, #tpu.memory_space<vmem>>[vector<16xi32>], vector<16xf32>,
        %jit3A_125 = arith.constant 0.000000e+00 : f32
        %broadcast_in_dim3A_126 = vector.broadcast %jit3A_125 : f32 to vector<16xf32>
        %select_n3A_127 = arith.select %and3A_94, %gather3A_124, %broadcast_in_dim3A_126 : vector<16xi1>, vector<16xf32>
        %select_n3A_128 = arith.select %lt3A_91, %gather3A_120, %select_n3A_127 : vector<16xi1>, vector<16xf32>
        %add3A_129 = arith.constant 1 : i32
        %add3A_130 = vector.broadcast %add3A_129 : i32 to vector<16xi32>
        %add3A_131 = arith.addi %mul3A_102, %add3A_130 : vector<16xi32>
        tpu.vector_store_idx %arg8[%add3A_131], %select_n3A_128 : memref<1536xf32, #tpu.memory_space<vmem>>[vector<16xi32>], vector<16xf32>,
        %add3A_132 = arith.constant 4128 : i32
        %add3A_133 = vector.broadcast %add3A_132 : i32 to vector<16xi32>
        %add3A_134 = arith.addi %add3A_90, %add3A_133 : vector<16xi32>
        %gather3A_135 = tpu.vector_load_idx %arg6[%add3A_134] : memref<6192xf32, #tpu.memory_space<vmem>>[vector<16xi32>], vector<16xf32>,
        %add3A_136 = arith.constant 1024 : i32
        %add3A_137 = vector.broadcast %add3A_136 : i32 to vector<16xi32>
        %add3A_138 = arith.addi %min3A_99, %add3A_137 : vector<16xi32>
        %gather3A_139 = tpu.vector_load_idx %arg7[%add3A_138] : memref<1536xf32, #tpu.memory_space<vmem>>[vector<16xi32>], vector<16xf32>,
        %jit3A_140 = arith.constant 0.000000e+00 : f32
        %broadcast_in_dim3A_141 = vector.broadcast %jit3A_140 : f32 to vector<16xf32>
        %select_n3A_142 = arith.select %and3A_94, %gather3A_139, %broadcast_in_dim3A_141 : vector<16xi1>, vector<16xf32>
        %select_n3A_143 = arith.select %lt3A_91, %gather3A_135, %select_n3A_142 : vector<16xi1>, vector<16xf32>
        %add3A_144 = arith.constant 2 : i32
        %add3A_145 = vector.broadcast %add3A_144 : i32 to vector<16xi32>
        %add3A_146 = arith.addi %mul3A_102, %add3A_145 : vector<16xi32>
        tpu.vector_store_idx %arg8[%add3A_146], %select_n3A_143 : memref<1536xf32, #tpu.memory_space<vmem>>[vector<16xi32>], vector<16xf32>,
        %scan3A_147 = arith.constant 1 : i32
        %scan3A_148 = arith.addi %scan3A_86, %scan3A_147 : i32
        %mul3A_149 = arith.constant 16 : i32
        %mul3A_150 = arith.muli %scan3A_148, %mul3A_149 : i32
        %add3A_151 = vector.broadcast %mul3A_150 : i32 to vector<16xi32>
        %add3A_152 = arith.addi %iota3A, %add3A_151 : vector<16xi32>
        %lt3A_153 = arith.cmpi slt, %add3A_152, %add3A_56 : vector<16xi32>
        %not3A_154 = arith.constant dense<true> : vector<16xi1>
        %not3A_155 = arith.xori %lt3A_153, %not3A_154 : vector<16xi1>
        %lt3A_156 = arith.cmpi slt, %add3A_152, %add3A_79 : vector<16xi32>
        %and3A_157 = arith.andi %not3A_155, %lt3A_156 : vector<16xi1>
        %sub3A_158 = arith.subi %add3A_152, %add3A_56 : vector<16xi32>
        %jit3A_159 = arith.constant 0 : i32
        %jit3A_160 = arith.constant 511 : i32
        %max3A_161 = vector.broadcast %jit3A_159 : i32 to vector<16xi32>
        %max3A_162 = arith.maxsi %max3A_161, %sub3A_158 : vector<16xi32>
        %min3A_163 = vector.broadcast %jit3A_160 : i32 to vector<16xi32>
        %min3A_164 = arith.minsi %min3A_163, %max3A_162 : vector<16xi32>
        %mul3A_165 = arith.constant 3 : i32
        %mul3A_166 = vector.broadcast %mul3A_165 : i32 to vector<16xi32>
        %mul3A_167 = arith.muli %add3A_152, %mul3A_166 : vector<16xi32>
        %add3A_168 = arith.constant 0 : i32
        %add3A_169 = vector.broadcast %add3A_168 : i32 to vector<16xi32>
        %add3A_170 = arith.addi %add3A_152, %add3A_169 : vector<16xi32>
        %gather3A_171 = tpu.vector_load_idx %arg6[%add3A_170] : memref<6192xf32, #tpu.memory_space<vmem>>[vector<16xi32>], vector<16xf32>,
        %add3A_172 = arith.constant 0 : i32
        %add3A_173 = vector.broadcast %add3A_172 : i32 to vector<16xi32>
        %add3A_174 = arith.addi %min3A_164, %add3A_173 : vector<16xi32>
        %gather3A_175 = tpu.vector_load_idx %arg7[%add3A_174] : memref<1536xf32, #tpu.memory_space<vmem>>[vector<16xi32>], vector<16xf32>,
        %jit3A_176 = arith.constant 0.000000e+00 : f32
        %broadcast_in_dim3A_177 = vector.broadcast %jit3A_176 : f32 to vector<16xf32>
        %select_n3A_178 = arith.select %and3A_157, %gather3A_175, %broadcast_in_dim3A_177 : vector<16xi1>, vector<16xf32>
        %select_n3A_179 = arith.select %lt3A_153, %gather3A_171, %select_n3A_178 : vector<16xi1>, vector<16xf32>
        %add3A_180 = arith.constant 0 : i32
        %add3A_181 = vector.broadcast %add3A_180 : i32 to vector<16xi32>
        %add3A_182 = arith.addi %mul3A_167, %add3A_181 : vector<16xi32>
        tpu.vector_store_idx %arg8[%add3A_182], %select_n3A_179 : memref<1536xf32, #tpu.memory_space<vmem>>[vector<16xi32>], vector<16xf32>,
        %add3A_183 = arith.constant 2064 : i32
        %add3A_184 = vector.broadcast %add3A_183 : i32 to vector<16xi32>
        %add3A_185 = arith.addi %add3A_152, %add3A_184 : vector<16xi32>
        %gather3A_186 = tpu.vector_load_idx %arg6[%add3A_185] : memref<6192xf32, #tpu.memory_space<vmem>>[vector<16xi32>], vector<16xf32>,
        %add3A_187 = arith.constant 512 : i32
        %add3A_188 = vector.broadcast %add3A_187 : i32 to vector<16xi32>
        %add3A_189 = arith.addi %min3A_164, %add3A_188 : vector<16xi32>
        %gather3A_190 = tpu.vector_load_idx %arg7[%add3A_189] : memref<1536xf32, #tpu.memory_space<vmem>>[vector<16xi32>], vector<16xf32>,
        %jit3A_191 = arith.constant 0.000000e+00 : f32
        %broadcast_in_dim3A_192 = vector.broadcast %jit3A_191 : f32 to vector<16xf32>
        %select_n3A_193 = arith.select %and3A_157, %gather3A_190, %broadcast_in_dim3A_192 : vector<16xi1>, vector<16xf32>
        %select_n3A_194 = arith.select %lt3A_153, %gather3A_186, %select_n3A_193 : vector<16xi1>, vector<16xf32>
        %add3A_195 = arith.constant 1 : i32
        %add3A_196 = vector.broadcast %add3A_195 : i32 to vector<16xi32>
        %add3A_197 = arith.addi %mul3A_167, %add3A_196 : vector<16xi32>
        tpu.vector_store_idx %arg8[%add3A_197], %select_n3A_194 : memref<1536xf32, #tpu.memory_space<vmem>>[vector<16xi32>], vector<16xf32>,
        %add3A_198 = arith.constant 4128 : i32
        %add3A_199 = vector.broadcast %add3A_198 : i32 to vector<16xi32>
        %add3A_200 = arith.addi %add3A_152, %add3A_199 : vector<16xi32>
        %gather3A_201 = tpu.vector_load_idx %arg6[%add3A_200] : memref<6192xf32, #tpu.memory_space<vmem>>[vector<16xi32>], vector<16xf32>,
        %add3A_202 = arith.constant 1024 : i32
        %add3A_203 = vector.broadcast %add3A_202 : i32 to vector<16xi32>
        %add3A_204 = arith.addi %min3A_164, %add3A_203 : vector<16xi32>
        %gather3A_205 = tpu.vector_load_idx %arg7[%add3A_204] : memref<1536xf32, #tpu.memory_space<vmem>>[vector<16xi32>], vector<16xf32>,
        %jit3A_206 = arith.constant 0.000000e+00 : f32
        %broadcast_in_dim3A_207 = vector.broadcast %jit3A_206 : f32 to vector<16xf32>
        %select_n3A_208 = arith.select %and3A_157, %gather3A_205, %broadcast_in_dim3A_207 : vector<16xi1>, vector<16xf32>
        %select_n3A_209 = arith.select %lt3A_153, %gather3A_201, %select_n3A_208 : vector<16xi1>, vector<16xf32>
        %add3A_210 = arith.constant 2 : i32
        %add3A_211 = vector.broadcast %add3A_210 : i32 to vector<16xi32>
        %add3A_212 = arith.addi %mul3A_167, %add3A_211 : vector<16xi32>
        tpu.vector_store_idx %arg8[%add3A_212], %select_n3A_209 : memref<1536xf32, #tpu.memory_space<vmem>>[vector<16xi32>], vector<16xf32>,
        %scan3A_213 = arith.constant 2 : i32
        %scan3A_214 = arith.addi %scan3A_86, %scan3A_213 : i32
        %mul3A_215 = arith.constant 16 : i32
        %mul3A_216 = arith.muli %scan3A_214, %mul3A_215 : i32
        %add3A_217 = vector.broadcast %mul3A_216 : i32 to vector<16xi32>
        %add3A_218 = arith.addi %iota3A, %add3A_217 : vector<16xi32>
        %lt3A_219 = arith.cmpi slt, %add3A_218, %add3A_56 : vector<16xi32>
        %not3A_220 = arith.constant dense<true> : vector<16xi1>
        %not3A_221 = arith.xori %lt3A_219, %not3A_220 : vector<16xi1>
        %lt3A_222 = arith.cmpi slt, %add3A_218, %add3A_79 : vector<16xi32>
        %and3A_223 = arith.andi %not3A_221, %lt3A_222 : vector<16xi1>
        %sub3A_224 = arith.subi %add3A_218, %add3A_56 : vector<16xi32>
        %jit3A_225 = arith.constant 0 : i32
        %jit3A_226 = arith.constant 511 : i32
        %max3A_227 = vector.broadcast %jit3A_225 : i32 to vector<16xi32>
        %max3A_228 = arith.maxsi %max3A_227, %sub3A_224 : vector<16xi32>
        %min3A_229 = vector.broadcast %jit3A_226 : i32 to vector<16xi32>
        %min3A_230 = arith.minsi %min3A_229, %max3A_228 : vector<16xi32>
        %mul3A_231 = arith.constant 3 : i32
        %mul3A_232 = vector.broadcast %mul3A_231 : i32 to vector<16xi32>
        %mul3A_233 = arith.muli %add3A_218, %mul3A_232 : vector<16xi32>
        %add3A_234 = arith.constant 0 : i32
        %add3A_235 = vector.broadcast %add3A_234 : i32 to vector<16xi32>
        %add3A_236 = arith.addi %add3A_218, %add3A_235 : vector<16xi32>
        %gather3A_237 = tpu.vector_load_idx %arg6[%add3A_236] : memref<6192xf32, #tpu.memory_space<vmem>>[vector<16xi32>], vector<16xf32>,
        %add3A_238 = arith.constant 0 : i32
        %add3A_239 = vector.broadcast %add3A_238 : i32 to vector<16xi32>
        %add3A_240 = arith.addi %min3A_230, %add3A_239 : vector<16xi32>
        %gather3A_241 = tpu.vector_load_idx %arg7[%add3A_240] : memref<1536xf32, #tpu.memory_space<vmem>>[vector<16xi32>], vector<16xf32>,
        %jit3A_242 = arith.constant 0.000000e+00 : f32
        %broadcast_in_dim3A_243 = vector.broadcast %jit3A_242 : f32 to vector<16xf32>
        %select_n3A_244 = arith.select %and3A_223, %gather3A_241, %broadcast_in_dim3A_243 : vector<16xi1>, vector<16xf32>
        %select_n3A_245 = arith.select %lt3A_219, %gather3A_237, %select_n3A_244 : vector<16xi1>, vector<16xf32>
        %add3A_246 = arith.constant 0 : i32
        %add3A_247 = vector.broadcast %add3A_246 : i32 to vector<16xi32>
        %add3A_248 = arith.addi %mul3A_233, %add3A_247 : vector<16xi32>
        tpu.vector_store_idx %arg8[%add3A_248], %select_n3A_245 : memref<1536xf32, #tpu.memory_space<vmem>>[vector<16xi32>], vector<16xf32>,
        %add3A_249 = arith.constant 2064 : i32
        %add3A_250 = vector.broadcast %add3A_249 : i32 to vector<16xi32>
        %add3A_251 = arith.addi %add3A_218, %add3A_250 : vector<16xi32>
        %gather3A_252 = tpu.vector_load_idx %arg6[%add3A_251] : memref<6192xf32, #tpu.memory_space<vmem>>[vector<16xi32>], vector<16xf32>,
        %add3A_253 = arith.constant 512 : i32
        %add3A_254 = vector.broadcast %add3A_253 : i32 to vector<16xi32>
        %add3A_255 = arith.addi %min3A_230, %add3A_254 : vector<16xi32>
        %gather3A_256 = tpu.vector_load_idx %arg7[%add3A_255] : memref<1536xf32, #tpu.memory_space<vmem>>[vector<16xi32>], vector<16xf32>,
        %jit3A_257 = arith.constant 0.000000e+00 : f32
        %broadcast_in_dim3A_258 = vector.broadcast %jit3A_257 : f32 to vector<16xf32>
        %select_n3A_259 = arith.select %and3A_223, %gather3A_256, %broadcast_in_dim3A_258 : vector<16xi1>, vector<16xf32>
        %select_n3A_260 = arith.select %lt3A_219, %gather3A_252, %select_n3A_259 : vector<16xi1>, vector<16xf32>
        %add3A_261 = arith.constant 1 : i32
        %add3A_262 = vector.broadcast %add3A_261 : i32 to vector<16xi32>
        %add3A_263 = arith.addi %mul3A_233, %add3A_262 : vector<16xi32>
        tpu.vector_store_idx %arg8[%add3A_263], %select_n3A_260 : memref<1536xf32, #tpu.memory_space<vmem>>[vector<16xi32>], vector<16xf32>,
        %add3A_264 = arith.constant 4128 : i32
        %add3A_265 = vector.broadcast %add3A_264 : i32 to vector<16xi32>
        %add3A_266 = arith.addi %add3A_218, %add3A_265 : vector<16xi32>
        %gather3A_267 = tpu.vector_load_idx %arg6[%add3A_266] : memref<6192xf32, #tpu.memory_space<vmem>>[vector<16xi32>], vector<16xf32>,
        %add3A_268 = arith.constant 1024 : i32
        %add3A_269 = vector.broadcast %add3A_268 : i32 to vector<16xi32>
        %add3A_270 = arith.addi %min3A_230, %add3A_269 : vector<16xi32>
        %gather3A_271 = tpu.vector_load_idx %arg7[%add3A_270] : memref<1536xf32, #tpu.memory_space<vmem>>[vector<16xi32>], vector<16xf32>,
        %jit3A_272 = arith.constant 0.000000e+00 : f32
        %broadcast_in_dim3A_273 = vector.broadcast %jit3A_272 : f32 to vector<16xf32>
        %select_n3A_274 = arith.select %and3A_223, %gather3A_271, %broadcast_in_dim3A_273 : vector<16xi1>, vector<16xf32>
        %select_n3A_275 = arith.select %lt3A_219, %gather3A_267, %select_n3A_274 : vector<16xi1>, vector<16xf32>
        %add3A_276 = arith.constant 2 : i32
        %add3A_277 = vector.broadcast %add3A_276 : i32 to vector<16xi32>
        %add3A_278 = arith.addi %mul3A_233, %add3A_277 : vector<16xi32>
        tpu.vector_store_idx %arg8[%add3A_278], %select_n3A_275 : memref<1536xf32, #tpu.memory_space<vmem>>[vector<16xi32>], vector<16xf32>,
        %scan3A_279 = arith.constant 3 : i32
        %scan3A_280 = arith.addi %scan3A_86, %scan3A_279 : i32
        %mul3A_281 = arith.constant 16 : i32
        %mul3A_282 = arith.muli %scan3A_280, %mul3A_281 : i32
        %add3A_283 = vector.broadcast %mul3A_282 : i32 to vector<16xi32>
        %add3A_284 = arith.addi %iota3A, %add3A_283 : vector<16xi32>
        %lt3A_285 = arith.cmpi slt, %add3A_284, %add3A_56 : vector<16xi32>
        %not3A_286 = arith.constant dense<true> : vector<16xi1>
        %not3A_287 = arith.xori %lt3A_285, %not3A_286 : vector<16xi1>
        %lt3A_288 = arith.cmpi slt, %add3A_284, %add3A_79 : vector<16xi32>
        %and3A_289 = arith.andi %not3A_287, %lt3A_288 : vector<16xi1>
        %sub3A_290 = arith.subi %add3A_284, %add3A_56 : vector<16xi32>
        %jit3A_291 = arith.constant 0 : i32
        %jit3A_292 = arith.constant 511 : i32
        %max3A_293 = vector.broadcast %jit3A_291 : i32 to vector<16xi32>
        %max3A_294 = arith.maxsi %max3A_293, %sub3A_290 : vector<16xi32>
        %min3A_295 = vector.broadcast %jit3A_292 : i32 to vector<16xi32>
        %min3A_296 = arith.minsi %min3A_295, %max3A_294 : vector<16xi32>
        %mul3A_297 = arith.constant 3 : i32
        %mul3A_298 = vector.broadcast %mul3A_297 : i32 to vector<16xi32>
        %mul3A_299 = arith.muli %add3A_284, %mul3A_298 : vector<16xi32>
        %add3A_300 = arith.constant 0 : i32
        %add3A_301 = vector.broadcast %add3A_300 : i32 to vector<16xi32>
        %add3A_302 = arith.addi %add3A_284, %add3A_301 : vector<16xi32>
        %gather3A_303 = tpu.vector_load_idx %arg6[%add3A_302] : memref<6192xf32, #tpu.memory_space<vmem>>[vector<16xi32>], vector<16xf32>,
        %add3A_304 = arith.constant 0 : i32
        %add3A_305 = vector.broadcast %add3A_304 : i32 to vector<16xi32>
        %add3A_306 = arith.addi %min3A_296, %add3A_305 : vector<16xi32>
        %gather3A_307 = tpu.vector_load_idx %arg7[%add3A_306] : memref<1536xf32, #tpu.memory_space<vmem>>[vector<16xi32>], vector<16xf32>,
        %jit3A_308 = arith.constant 0.000000e+00 : f32
        %broadcast_in_dim3A_309 = vector.broadcast %jit3A_308 : f32 to vector<16xf32>
        %select_n3A_310 = arith.select %and3A_289, %gather3A_307, %broadcast_in_dim3A_309 : vector<16xi1>, vector<16xf32>
        %select_n3A_311 = arith.select %lt3A_285, %gather3A_303, %select_n3A_310 : vector<16xi1>, vector<16xf32>
        %add3A_312 = arith.constant 0 : i32
        %add3A_313 = vector.broadcast %add3A_312 : i32 to vector<16xi32>
        %add3A_314 = arith.addi %mul3A_299, %add3A_313 : vector<16xi32>
        tpu.vector_store_idx %arg8[%add3A_314], %select_n3A_311 : memref<1536xf32, #tpu.memory_space<vmem>>[vector<16xi32>], vector<16xf32>,
        %add3A_315 = arith.constant 2064 : i32
        %add3A_316 = vector.broadcast %add3A_315 : i32 to vector<16xi32>
        %add3A_317 = arith.addi %add3A_284, %add3A_316 : vector<16xi32>
        %gather3A_318 = tpu.vector_load_idx %arg6[%add3A_317] : memref<6192xf32, #tpu.memory_space<vmem>>[vector<16xi32>], vector<16xf32>,
        %add3A_319 = arith.constant 512 : i32
        %add3A_320 = vector.broadcast %add3A_319 : i32 to vector<16xi32>
        %add3A_321 = arith.addi %min3A_296, %add3A_320 : vector<16xi32>
        %gather3A_322 = tpu.vector_load_idx %arg7[%add3A_321] : memref<1536xf32, #tpu.memory_space<vmem>>[vector<16xi32>], vector<16xf32>,
        %jit3A_323 = arith.constant 0.000000e+00 : f32
        %broadcast_in_dim3A_324 = vector.broadcast %jit3A_323 : f32 to vector<16xf32>
        %select_n3A_325 = arith.select %and3A_289, %gather3A_322, %broadcast_in_dim3A_324 : vector<16xi1>, vector<16xf32>
        %select_n3A_326 = arith.select %lt3A_285, %gather3A_318, %select_n3A_325 : vector<16xi1>, vector<16xf32>
        %add3A_327 = arith.constant 1 : i32
        %add3A_328 = vector.broadcast %add3A_327 : i32 to vector<16xi32>
        %add3A_329 = arith.addi %mul3A_299, %add3A_328 : vector<16xi32>
        tpu.vector_store_idx %arg8[%add3A_329], %select_n3A_326 : memref<1536xf32, #tpu.memory_space<vmem>>[vector<16xi32>], vector<16xf32>,
        %add3A_330 = arith.constant 4128 : i32
        %add3A_331 = vector.broadcast %add3A_330 : i32 to vector<16xi32>
        %add3A_332 = arith.addi %add3A_284, %add3A_331 : vector<16xi32>
        %gather3A_333 = tpu.vector_load_idx %arg6[%add3A_332] : memref<6192xf32, #tpu.memory_space<vmem>>[vector<16xi32>], vector<16xf32>,
        %add3A_334 = arith.constant 1024 : i32
        %add3A_335 = vector.broadcast %add3A_334 : i32 to vector<16xi32>
        %add3A_336 = arith.addi %min3A_296, %add3A_335 : vector<16xi32>
        %gather3A_337 = tpu.vector_load_idx %arg7[%add3A_336] : memref<1536xf32, #tpu.memory_space<vmem>>[vector<16xi32>], vector<16xf32>,
        %jit3A_338 = arith.constant 0.000000e+00 : f32
        %broadcast_in_dim3A_339 = vector.broadcast %jit3A_338 : f32 to vector<16xf32>
        %select_n3A_340 = arith.select %and3A_289, %gather3A_337, %broadcast_in_dim3A_339 : vector<16xi1>, vector<16xf32>
        %select_n3A_341 = arith.select %lt3A_285, %gather3A_333, %select_n3A_340 : vector<16xi1>, vector<16xf32>
        %add3A_342 = arith.constant 2 : i32
        %add3A_343 = vector.broadcast %add3A_342 : i32 to vector<16xi32>
        %add3A_344 = arith.addi %mul3A_299, %add3A_343 : vector<16xi32>
        tpu.vector_store_idx %arg8[%add3A_344], %select_n3A_341 : memref<1536xf32, #tpu.memory_space<vmem>>[vector<16xi32>], vector<16xf32>,
      }
      %scan3A_85 = arith.constant 32 : i32
      "tpu.region"() ({
        %run_scoped3A = tpu.sem_alloc : memref<!tpu.dma_semaphore, #tpu.memory_space<semaphore_mem>>
        %dma_start3A = arith.constant 0 : i32
        %dma_start3A_86 = tpu.memref_slice %arg4[%add3A_30, %dma_start3A] : memref<16x1536xf32, #tpu.memory_space<hbm>> -> memref<1x1536xf32, #tpu.memory_space<hbm>>
        %dma_start3A_87 = tpu.memref_squeeze %dma_start3A_86 : memref<1x1536xf32, #tpu.memory_space<hbm>> -> memref<1536xf32, #tpu.memory_space<hbm>>
        %dma_start3A_88 = arith.constant 0 : i32
        %dma_start3A_89 = tpu.memref_slice %arg4[%add3A_30, %dma_start3A_88] : memref<16x1536xf32, #tpu.memory_space<hbm>> -> memref<1x1536xf32, #tpu.memory_space<hbm>>
        %dma_start3A_90 = tpu.memref_squeeze %dma_start3A_89 : memref<1x1536xf32, #tpu.memory_space<hbm>> -> memref<1536xf32, #tpu.memory_space<hbm>>
        tpu.enqueue_dma source(%arg8 : memref<1536xf32, #tpu.memory_space<vmem>>) target(%dma_start3A_90 : memref<1536xf32, #tpu.memory_space<hbm>>) target_semaphore(%run_scoped3A : memref<!tpu.dma_semaphore, #tpu.memory_space<semaphore_mem>>)
        %dma_wait3A = arith.constant 0 : i32
        %dma_wait3A_91 = tpu.memref_slice %arg4[%add3A_30, %dma_wait3A] : memref<16x1536xf32, #tpu.memory_space<hbm>> -> memref<1x1536xf32, #tpu.memory_space<hbm>>
        %dma_wait3A_92 = tpu.memref_squeeze %dma_wait3A_91 : memref<1x1536xf32, #tpu.memory_space<hbm>> -> memref<1536xf32, #tpu.memory_space<hbm>>
        %dma_wait3A_93 = arith.constant 0 : i32
        %dma_wait3A_94 = tpu.memref_slice %arg4[%add3A_30, %dma_wait3A_93] : memref<16x1536xf32, #tpu.memory_space<hbm>> -> memref<1x1536xf32, #tpu.memory_space<hbm>>
        %dma_wait3A_95 = tpu.memref_squeeze %dma_wait3A_94 : memref<1x1536xf32, #tpu.memory_space<hbm>> -> memref<1536xf32, #tpu.memory_space<hbm>>
        tpu.wait_dma2 semaphore(%run_scoped3A : memref<!tpu.dma_semaphore, #tpu.memory_space<semaphore_mem>>) src(%arg8 : memref<1536xf32, #tpu.memory_space<vmem>>) dst(%dma_wait3A_95 : memref<1536xf32, #tpu.memory_space<hbm>>)
        tpu.yield
      }) : () -> ()
    } else {
    }
    return
  }
}

</mosaic_0001>

<sc_bundles>
// kernel: _run.3.cloned.1.call-start
scs
__scs_entry_jumppad:
0x0: {  	(pc) =	sbr.rel $0x88, $3  }
0x1: {  	(tag) =	ssettag $0x0;
	lr =	simm.s32 $0x1  }
0x2: {  	[smem:$0x3F9F] =	sst lr;
	_ =	strace $0xD0000000  }
0x3: {  	_ = 	snop  }
0x4: {  	_ = 	snop  }
0x5: {  	_ = 	snop  }
0x6: {  	_ = 	snop  }
0x7: {  	_ = 	snop  }
__scs_overlays_trampoline_lowered:
0x8: {  	[smem:$0x3FAE] =	sst s0  }
0x9: {  	[smem:$0x3FAF] =	sst s1  }
0xa: {  	[smem:$0x3FB0] =	sst s2  }
0xb: {  	[smem:$0x3FB1] =	sst s3  }
0xc: {  	[smem:$0x3FB2] =	sst s4  }
0xd: {  	[smem:$0x3FB3] =	sst s5  }
0xe: {  	[smem:$0x3FB4] =	sst s6  }
0xf: {  	[smem:$0x3FB5] =	sst s7  }
0x10: {  	[smem:$0x3FB6] =	sst s8  }
0x11: {  	[smem:$0x3FB7] =	sst s9;
	s0 =	simm.s32 @!p0 $0x0  }
0x12: {  	s1 =	sld [smem:$0x3F9D];
	s0 =	simm.s32 @p0 $0x1  }
0x13: {  	[smem:$0x3FB8] =	sst s0;
	s0 =	simm.s32 @!p1 $0x0  }
0x14: {  	s2 =	sld [smem:$0x3F9C];
	s0 =	simm.s32 @p1 $0x1  }
0x15: {  	[smem:$0x3FB9] =	sst s0;
	s0 =	simm.s32 @!p2 $0x0  }
0x16: {  	s3 =	sld [smem:$0x3FDB];
	s0 =	simm.s32 @p2 $0x1  }
0x17: {  	s4 =	simm.s32 $0x1BF5;
	[smem:$0x3FBB] =	sst s0  }
0x18: {  	s0 =	sld [smem:$0x3F9E];
	_ =	swait.ge [sflag:s4], $0x0  }
0x19: {  	s7 =	sld [smem:$0x3F9F]  }
0x1a: {  	s8 =	sadd.s32 $0xFFFFE003, lr  }
0x1b: {  	s9 =	sadd.s32 $0xFFFFFEF7, lr;
	s5 =	simm.s32 $0xFFFFFFFF;
	p2 =	slt.u32 s8, $0xFFFFF086  }
0x1c: {  	p1 =	slt.u32 s9, $0xF7A;
	s5 =	simm.s32 @!p2 $0x0  }
0x1d: {  	s5 =	simm.s32 @p1 $0x1;
	p0 =	seq.s32 s7, s2  }
0x1e: {  	s7 =	smul.u32 @!p0 $0xF7A, s2;
	p2 =	seq.s32 @!p0 s5, $0x0  }
0x1f: {  	s9 =	smul.u32 $0xF7A, s1;
	s8 =	simm.s32 @!p0 $0x1BF5;
	p2 =	por !p2, p0  }
0x20: {  	[sflag:s8] =	ssyncset.s32 @!p0 $0xFFFFF086;
	s6 =	sadd.s32 @!p0 s3, s7;
	s7 =	simm.s32 @!p0 $0x108  }
0x21: {  	s3 =	sadd.s32 s3, s9;
	s6 =	sadd.s32 @!p0 $0x88, s6;
	s7 =	simm.s32 @p2 $0x1082  }
0x22: {  	[simem:s7], [sflag:s8] =	dma.local @!p0 [hbm:s6], $0xF7A  }
0x23: {  	s9 =	sor.u32 $0xD0000000, s2;
	s6 =	simm.s32 $0x108;
	_ =	swait.ge @!p0 [sflag:s8], $0x0  }
0x24: {  	s3 =	sadd.s32 $0x88, s3;
	s6 =	simm.s32 @!p1 $0x1082;
	[sflag:s4] =	ssyncset.s32 $0xFFFFF086  }
0x25: {  	[simem:s6], [sflag:s4] =	dma.local [hbm:s3], $0xF7A  }
0x26: {  	[smem:$0x3F9F] =	sst s1;
	(tag) =	ssettag s2;
	_ =	strace s9  }
0x27: {  	s1 =	sld [smem:$0x3FAF]  }
0x28: {  	s2 =	sld [smem:$0x3FB0]  }
0x29: {  	s4 =	sld [smem:$0x3FB2]  }
0x2a: {  	p0 =	seq.s32 s5, $0x0;
	s5 =	sld [smem:$0x3FB3]  }
0x2b: {  	s6 =	sld [smem:$0x3FB4]  }
0x2c: {  	s7 =	sld [smem:$0x3FB5]  }
0x2d: {  	s3 =	simm.s32 $0x108;
	s8 =	sld [smem:$0x3FB6]  }
0x2e: {  	s3 =	simm.s32 @!p0 $0x1082;
	s9 =	sld [smem:$0x3FB7]  }
0x2f: {  	lr =	sadd.s32 s0, s3;
	s0 =	sld [smem:$0x3FAE]  }
0x30: {  	s3 =	sld [smem:$0x3FB1]  }
0x31: {  	[smem:$0x3FBA] =	sst s10  }
0x32: {  	s10 =	sld [smem:$0x3FB8];
	_ =	sdelay $0x3  }
0x33: {  	p0 =	seq.s32 s10, $0x1;
	s10 =	sld [smem:$0x3FBA];
	_ =	sdelay $0x3  }
0x34: {  	[smem:$0x3FBA] =	sst s10  }
0x35: {  	s10 =	sld [smem:$0x3FB9];
	_ =	sdelay $0x3  }
0x36: {  	p1 =	seq.s32 s10, $0x1;
	s10 =	sld [smem:$0x3FBA];
	_ =	sdelay $0x3  }
0x37: {  	[smem:$0x3FBA] =	sst s10  }
0x38: {  	s10 =	sld [smem:$0x3FBB]  }
0x39: {  	_ = 	snop;
	(pc) =	sbr.ind lr, $3  }
0x3a: {  	_ = 	snop  }
0x3b: {  	_ = 	snop  }
0x3c: {  	p2 =	seq.s32 s10, $0x1;
	s10 =	sld [smem:$0x3FBA]  }
0x3d: {  	_ =	shalt  }
0x3e: {  	_ =	shalt  }
0x3f: {  	_ =	shalt  }
0x40: {  	_ =	shalt  }
0x41: {  	_ =	shalt  }
0x42: {  	_ =	shalt  }
0x43: {  	_ =	shalt  }
0x44: {  	_ =	shalt  }
0x45: {  	_ =	shalt  }
0x46: {  	_ =	shalt  }
0x47: {  	_ =	shalt  }
0x48: {  	_ =	shalt  }
0x49: {  	_ =	shalt  }
0x4a: {  	_ =	shalt  }
0x4b: {  	_ =	shalt  }
0x4c: {  	_ =	shalt  }
0x4d: {  	_ =	shalt  }
0x4e: {  	_ =	shalt  }
0x4f: {  	_ =	shalt  }
0x50: {  	_ =	shalt  }
0x51: {  	_ =	shalt  }
0x52: {  	_ =	shalt  }
0x53: {  	_ =	shalt  }
0x54: {  	_ =	shalt  }
0x55: {  	_ =	shalt  }
0x56: {  	_ =	shalt  }
0x57: {  	_ =	shalt  }
0x58: {  	_ =	shalt  }
0x59: {  	_ =	shalt  }
0x5a: {  	_ =	shalt  }
0x5b: {  	_ =	shalt  }
0x5c: {  	_ =	shalt  }
0x5d: {  	_ =	shalt  }
0x5e: {  	_ =	shalt  }
0x5f: {  	_ =	shalt  }
0x60: {  	_ =	shalt  }
0x61: {  	_ =	shalt  }
0x62: {  	_ =	shalt  }
0x63: {  	_ =	shalt  }
0x64: {  	_ =	shalt  }
0x65: {  	_ =	shalt  }
0x66: {  	_ =	shalt  }
0x67: {  	_ =	shalt  }
0x68: {  	_ =	shalt  }
0x69: {  	_ =	shalt  }
0x6a: {  	_ =	shalt  }
0x6b: {  	_ =	shalt  }
0x6c: {  	_ =	shalt  }
0x6d: {  	_ =	shalt  }
0x6e: {  	_ =	shalt  }
0x6f: {  	_ =	shalt  }
0x70: {  	_ =	shalt  }
0x71: {  	_ =	shalt  }
0x72: {  	_ =	shalt  }
0x73: {  	_ =	shalt  }
0x74: {  	_ =	shalt  }
0x75: {  	_ =	shalt  }
0x76: {  	_ =	shalt  }
0x77: {  	_ =	shalt  }
0x78: {  	_ =	shalt  }
0x79: {  	_ =	shalt  }
0x7a: {  	_ =	shalt  }
0x7b: {  	_ =	shalt  }
0x7c: {  	_ =	shalt  }
0x7d: {  	_ =	shalt  }
0x7e: {  	_ =	shalt  }
0x7f: {  	_ =	shalt  }
0x80: {  	_ =	shalt  }
0x81: {  	_ =	shalt  }
0x82: {  	_ =	shalt  }
0x83: {  	_ =	shalt  }
0x84: {  	_ =	shalt  }
0x85: {  	_ =	shalt  }
0x86: {  	_ =	shalt  }
0x87: {  	_ =	shalt  }
.Lfunc_end0:
.L_simem_size_0:
called_computation_lowered:
.L_overlay_start_0:
0x88: {  	s2 =	sld [smem:$0x3FD9]  }
0x89: {  	s3 =	sld [smem:$0x3FFE];
	_ =	sdelay $0x1  }
0x8a: {  	s1 =	srdreg.scid  }
0x8b: {  	s0 =	sand.u32 $0x1, s1  }
0x8c: {  	s18 =	sshll.u32 s0, $0xA;
	s2 =	sadd.s32 s3, s2  }
0x8d: {  	s2 =	sadd.s32 s2, s18  }
0x8e: {  	[smem:$0x3FC6] =	sst s2  }
0x8f: {  	_ = 	snop  }
0x90: {  	s2 =	sld [smem:$0x3FC9]  }
0x91: {  	s19 =	sld [smem:$0x3FC8]  }
0x92: {  	s4 =	sld [smem:$0x3FD0];
	(tm) =	ssettm $0x1  }
0x93: {  	s5 =	sld [smem:$0x3FFB];
	_ =	sdelay $0x3  }
0x94: {  	_ =	strace s5  }
0x95: {  	s5 =	sld [smem:$0x3FFC];
	_ =	sdelay $0x3  }
0x96: {  	_ =	strace s5  }
0x97: {  	s5 =	sld [smem:$0x3FFD];
	_ =	sdelay $0x3  }
0x98: {  	_ =	strace s5  }
0x99: {  	_ =	strace $0x8FFFFFFF  }
0x9a: {  	s20 =	sld [smem:$0x3FDB];
	_ =	sdelay $0x1  }
0x9b: {  	s6 =	simm.s32 $_scs_section_size  }
0x9c: {  	s7 =	simm.s32 $_size__tile_overlayer_lowered;
	s8 =	simm.s32 $_tile_overlayer_lowered  }
0x9d: {  	s23 =	simm.s32 $0x1BFF;
	s22 =	sshll.u32 s8, $0x1;
	s5 =	sadd.s32 s6, s20  }
0x9e: {  	s9 =	simm.s32 $0x0;
	s21 =	sshll.u32 s7, $0x1;
	s7 =	sadd.s32 s22, s5  }
0x9f: {  	[timem:s9], [sflag:s23] =	dma.local [hbm:s7], s21  }
0xa0: {  	_ =	swait.ge [sflag:s23], s21  }
0xa1: {  	s6 =	ssub.s32 $0x0, s21;
	[sflag:s23] =	ssyncset.done $0x0  }
0xa2: {  	[sflag:s23] =	ssyncadd.s32 s6;
	_ =	sdelay $0x1  }
0xa3: {  	s24 =	simm.s32 $0x1B8B  }
0xa4: {  	_ =	swait.ge [sflag:s24], $0x1  }
0xa5: {  	[sflag:s24] =	ssyncset.done $0x0  }
0xa6: {  	s25 =	simm.s32 $0x1B8E;
	[sflag:s24] =	ssyncadd.s32 $0xFFFFFFFF  }
0xa7: {  	s26 =	simm.s32 $execute0_lowered;
	[smem:$0x3FD2] =	sst s25  }
0xa8: {  	s6 =	sshll.u32 s26, $0x1;
	_ =	strace $0x80000046;
	[dreg:$0x1] =	wrdreg $0xFFFFFFFF  }
0xa9: {  	s28 =	simm.s32 $_size_execute0_lowered;
	s5 =	sadd.s32 s5, s6;
	[dreg:$0x0] =	wrdreg $0x0  }
0xaa: {  	s6 =	sshll.u32 s28, $0x1;
	[dreg:$0x2] =	wrdreg s5  }
0xab: {  	[dreg:$0x3] =	wrdreg s6  }
0xac: {  	[dreg:$0x4] =	wrdreg $0xC0  }
0xad: {  	_ =	task [dreg:s9], $0x5FFFF  }
0xae: {  	[dreg:$0x1] =	wrdreg $0xFFFFFFFF  }
0xaf: {  	[dreg:$0x0] =	wrdreg $0x60  }
0xb0: {  	[dreg:$0x2] =	wrdreg s2  }
0xb1: {  	[dreg:$0x3] =	wrdreg s19  }
0xb2: {  	[dreg:$0x4] =	wrdreg s4  }
0xb3: {  	[dreg:$0x5] =	wrdreg $0x3D800  }
0xb4: {  	[dreg:$0x6] =	wrdreg $0x43800  }
0xb5: {  	[dreg:$0x7] =	wrdreg $0x9  }
0xb6: {  	_ =	task.clear_ibuf [dreg:s9], $0x8FFFF;
	_ =	strace $0x90000046  }
0xb7: {  	s29 =	simm.s32 $0x9;
	_ =	strace $0x80000048  }
0xb8: {  	_ =	swait.ge [sflag:s29], $0x1  }
0xb9: {  	[sflag:s29] =	ssyncadd.s32 $0xFFFFFFFF  }
0xba: {  	_ =	strace $0x90000048  }
0xbb: {  	_ =	sfence  }
0xbc: {  	s30 =	sld [smem:$0x0];
	_ =	sdelay $0x2  }
0xbd: {  	s31 =	sshll.u32 s1, $0xD;
	s1 =	sshrl.u32 s1, $0x2  }
0xbe: {  	s3 =	sand.u32 $0x4000, s31;
	s1 =	sadd.s32 s1, s30  }
0xbf: {  	s0 =	sor.u32 s3, s0;
	s1 =	sshll.u32 s1, $0x11  }
0xc0: {  	s0 =	sor.u32 s1, s0  }
0xc1: {  	s0 =	sadd.s32 $0x8F2B, s0  }
0xc2: {  	[sflag:s0] =	ssyncadd.remote.s32 $0x1  }
0xc3: {  	_ =	sfence.sel $0xFFFF  }
0xc4: {  	[dreg:$0x0] =	wrdreg $0xFFFFFFFF;
	(pc) =	sbr.abs _section_cstart, $3  }
0xc5: {  	[dreg:$0x1] =	wrdreg $0xFFFFFFFF  }
0xc6: {  	_ =	task.clear_ibuf [dreg:s9], $0x2FFFF;
	_ =	strace $0x9FFFFFFF  }
0xc7: {  	(tm) =	ssettm $0x7FFFFFFF  }
tec
execute0_lowered:
.L_overlay_start_1:
0x0: {  	(tag) =	ssettag $0x1  }
0x1: {  	s5 =	rddreg [dreg:$0x0]  }
0x2: {  	s6 =	rddreg [dreg:$0x1]  }
0x3: {  	s1 =	srdreg.scid;
	s13 =	rddreg [dreg:$0x2]  }
0x4: {  	s0 =	stileid.u32;
	s11 =	rddreg [dreg:$0x3]  }
0x5: {  	s12 =	rddreg [dreg:$0x4];
	s2 =	simm.s32 $0x0;
	s28 =	simm.s32 $0x0  }
0x6: {  	s8 =	sand.u32 $0x1, s1;
	s4 =	sshrl.u32 s0, $0x1;
	[smem:$0x7FF] =	sst s2  }
0x7: {  	s21 =	sand.u32 $0x1, s0;
	s24 =	smul.u32 $0x1800, s0;
	s29 =	sor.u32 $0x1, s0  }
0x8: {  	s30 =	sshll.u32 s0, $0x4;
	s1 =	sshll.u32 s8, $0x3;
	s10 =	ssub.s32 $0x2, s8  }
0x9: {  	_ =	strace $0x80000047;
	s15 =	sshll.u32 s21, $0xE;
	s20 =	sshll.u32 s4, $0x7  }
0xa: {  	s22 =	sshll.u32 s8, $0xA;
	s17 =	smul.u32 $0x3000, s8;
	p0 =	sne.s32 s21, $0x0  }
0xb: {  	s21 =	simm.s32 $0x1800;
	s3 =	sor.u32 s4, s1;
	s14 =	sshrl.u32 s10, $0x1  }
0xc: {  	s23 =	sor.u32 s22, s20;
	s26 =	sshrl.u32 s24, $0x2;
	s7 =	smul.u32 $0x3, s3  }
0xd: {  	s22 =	simm.s32 $0x2010;
	s24 =	simm.s32 $0x3D00;
	s9 =	smul.u32 $0x3000, s3  }
0xe: {  	s3 =	smul.u32 $0x180, s3;
	s14 =	ssub.s32 s10, s14;
	s25 =	sshrl.u32 s23, $0x3  }
0xf: {  	s10 =	sadd.s32 s30, s12;
	s23 =	simm.s32 $0x2820;
	s6 =	sadd.s32 s6, s25  }
0x10: {  	s14 =	smax.u32 s14, $0x1;
	s25 =	simm.s32 $0x3080;
	s3 =	sor.u32 s9, s3  }
0x11: {  	s18 =	sadd.s32 $0x1, s7;
	s7 =	sadd.s32 $0x2, s7;
	s3 =	sand.u32 $0x38380, s3  }
0x12: {  	s16 =	sshll.u32 s18, $0xC;
	s9 =	sshll.u32 s18, $0x7;
	s19 =	sshll.u32 s7, $0xC  }
0x13: {  	s7 =	sshll.u32 s7, $0x7;
	s18 =	smul.u32 $0x1800, s29;
	s3 =	sor.u32 s15, s3  }
0x14: {  	s9 =	sor.u32 s16, s9;
	s7 =	sor.u32 s19, s7;
	s16 =	sor.u32 s17, s20  }
0x15: {  	s17 =	simm.s32 $0x1;
	s19 =	simm.s32 $0x1000;
	s20 =	simm.s32 $0x3C80  }
0x16: {  	s3 =	sshrl.u32 s3, $0x3;
	s9 =	sand.u32 $0x7FFF8380, s9;
	s7 =	sand.u32 $0x7FFF8380, s7  }
0x17: {  	s31 =	sshrl.u32 s18, $0x2;
	s16 =	sshrl.u32 s16, $0x3;
	s18 =	simm.s32 $0x800  }
0x18: {  	s9 =	sor.u32 s15, s9;
	s3 =	sadd.s32 s5, s3;
	s7 =	sor.u32 s15, s7  }
.Ltmp0:
0x19: {  	s15 =	sshll.u32 s29, $0x4;
	s13 =	sadd.s32 s13, s16;
	(pc) =	sbr.rel .LBB2_1-.Ltmp0, $4  }
0x1a: {  	s16 =	simm.s32 $0x400;
	s9 =	sshrl.u32 s9, $0x3;
	s7 =	sshrl.u32 s7, $0x3  }
0x1b: {  	s12 =	sadd.s32 s15, s12;
	s15 =	simm.s32 $0x80;
	s4 =	sadd.s32 s5, s9  }
0x1c: {  	v0 =	vlaneseq.u32;
	s5 =	sadd.s32 s5, s7;
	s7 =	sadd.s32 s26, s11;
	s11 =	sadd.s32 s31, s11  }
0x1d: {  	v1 =	vor.u32 $0x810, v0;
	v2 =	vor.u32 $0x1020, v0;
	s26 =	simm.s32 $0x3680;
	s8 =	sadd.s32 $0x200, s7;
	s9 =	sadd.s32 $0x400, s7  }
.LBB2_6:
0x1e: {  	_ =	sdelay $0x3  }
0x1f: {  	[tilespmem:v7+s26+$0x0] =	vst.idx.msk $0xffff, v8  }
0x20: {  	v7 =	vld.idx.msk [tilespmem:v5+s25+$0x0], $0xffff  }
0x21: {  	v9 =	vmul.u32 $0x3, v6;
	v8 =	vld.idx.msk [tilespmem:v6+s21+$0x0], $0xffff;
	_ =	sdelay $0x1  }
0x22: {  	vm0 =	vge.s32 v6, v3;
	v30 =	vor.u32 $0x200, v5  }
0x23: {  	v10 =	vor.u32 s31, v1;
	vm1 =	vmand vm0, vm1  }
0x24: {  	v7 =	vnsel vm1, $0x0, v7  }
0x25: {  	v7 =	vsel vm0, v7, v8  }
0x26: {  	[tilespmem:v9+s26+$0x0] =	vst.idx.msk $0xffff, v7  }
0x27: {  	v6 =	vld.idx.msk [tilespmem:v30+s25+$0x0], $0xffff  }
0x28: {  	v7 =	vld.idx.msk [tilespmem:v10+s21+$0x0], $0xffff  }
0x29: {  	v31 =	vadd.s32 $0x1, v9  }
0x2a: {  	v32 =	vor.u32 $0x400, v5  }
0x2b: {  	v33 =	vor.u32 s31, v2  }
0x2c: {  	v6 =	vnsel vm1, $0x0, v6  }
0x2d: {  	s1 =	sadd.s32 $0xFFFFFFE0, s29;
	v6 =	vsel vm0, v6, v7  }
0x2e: {  	v34 =	vor.u32 s1, v0;
	[tilespmem:v31+s26+$0x0] =	vst.idx.msk $0xffff, v6  }
0x2f: {  	v35 =	vsub.s32 v34, v3;
	v5 =	vld.idx.msk [tilespmem:v32+s25+$0x0], $0xffff  }
0x30: {  	vm2 =	vgt.s32 v35, $0x0;
	v8 =	vld.idx.msk [tilespmem:v33+s21+$0x0], $0xffff  }
0x31: {  	v9 =	vadd.s32 $0x2, v9;
	v7 =	vnsel vm2, $0x0, v35  }
0x32: {  	v7 =	vmin.u32 v7, $0x1FF;
	_ =	sdelay $0x1  }
0x33: {  	v5 =	vnsel vm1, $0x0, v5  }
0x34: {  	v5 =	vsel vm0, v5, v8  }
0x35: {  	[tilespmem:v9+s26+$0x0] =	vst.idx.msk $0xffff, v5  }
0x36: {  	v5 =	vld.idx.msk [tilespmem:v7+s25+$0x0], $0xffff  }
0x37: {  	v37 =	vmul.u32 $0x3, v34;
	v36 =	vld.idx.msk [tilespmem:v34+s21+$0x0], $0xffff;
	_ =	sdelay $0x1  }
0x38: {  	vm8 =	vlt.s32 v34, v4;
	vm9 =	vge.s32 v34, v3;
	v38 =	vor.u32 $0x200, v7  }
0x39: {  	v39 =	vadd.s32 s1, v1;
	vm0 =	vmand vm9, vm8  }
0x3a: {  	v5 =	vnsel vm0, $0x0, v5  }
0x3b: {  	v5 =	vsel vm9, v5, v36  }
0x3c: {  	[tilespmem:v37+s26+$0x0] =	vst.idx.msk $0xffff, v5  }
0x3d: {  	v5 =	vld.idx.msk [tilespmem:v38+s25+$0x0], $0xffff  }
0x3e: {  	v40 =	vld.idx.msk [tilespmem:v39+s21+$0x0], $0xffff  }
0x3f: {  	v41 =	vadd.s32 $0x1, v37  }
0x40: {  	v7 =	vor.u32 $0x400, v7  }
0x41: {  	v42 =	vor.u32 s1, v2  }
0x42: {  	v5 =	vnsel vm0, $0x0, v5  }
0x43: {  	s31 =	sadd.s32 $0xFFFFFFF0, s29;
	v5 =	vsel vm9, v5, v40  }
0x44: {  	v43 =	vor.u32 s31, v0;
	[tilespmem:v41+s26+$0x0] =	vst.idx.msk $0xffff, v5  }
0x45: {  	v45 =	vsub.s32 v43, v3;
	v44 =	vld.idx.msk [tilespmem:v7+s25+$0x0], $0xffff  }
0x46: {  	vm10 =	vgt.s32 v45, $0x0;
	v8 =	vld.idx.msk [tilespmem:v42+s21+$0x0], $0xffff  }
0x47: {  	v9 =	vadd.s32 $0x2, v37;
	v7 =	vnsel vm10, $0x0, v45  }
0x48: {  	v7 =	vmin.u32 v7, $0x1FF;
	_ =	sdelay $0x1  }
0x49: {  	v6 =	vnsel vm0, $0x0, v44  }
0x4a: {  	v6 =	vsel vm9, v6, v8  }
0x4b: {  	[tilespmem:v9+s26+$0x0] =	vst.idx.msk $0xffff, v6  }
0x4c: {  	v6 =	vld.idx.msk [tilespmem:v7+s25+$0x0], $0xffff  }
0x4d: {  	v47 =	vmul.u32 $0x3, v43;
	v46 =	vld.idx.msk [tilespmem:v43+s21+$0x0], $0xffff;
	_ =	sdelay $0x1  }
0x4e: {  	vm11 =	vlt.s32 v43, v4;
	vm12 =	vge.s32 v43, v3;
	v48 =	vor.u32 $0x200, v7  }
0x4f: {  	v49 =	vor.u32 s31, v1;
	vm0 =	vmand vm12, vm11  }
0x50: {  	v6 =	vnsel vm0, $0x0, v6  }
0x51: {  	v6 =	vsel vm12, v6, v46  }
0x52: {  	[tilespmem:v47+s26+$0x0] =	vst.idx.msk $0xffff, v6  }
0x53: {  	v5 =	vld.idx.msk [tilespmem:v48+s25+$0x0], $0xffff  }
0x54: {  	v6 =	vld.idx.msk [tilespmem:v49+s21+$0x0], $0xffff  }
0x55: {  	v50 =	vadd.s32 $0x1, v47  }
0x56: {  	v7 =	vor.u32 $0x400, v7  }
0x57: {  	v51 =	vadd.s32 s31, v2  }
0x58: {  	v5 =	vnsel vm0, $0x0, v5  }
0x59: {  	v5 =	vsel vm12, v5, v6  }
0x5a: {  	v52 =	vor.u32 s29, v0;
	[tilespmem:v50+s26+$0x0] =	vst.idx.msk $0xffff, v5  }
0x5b: {  	v54 =	vsub.s32 v52, v3;
	v53 =	vld.idx.msk [tilespmem:v7+s25+$0x0], $0xffff  }
0x5c: {  	vm13 =	vgt.s32 v54, $0x0;
	v8 =	vld.idx.msk [tilespmem:v51+s21+$0x0], $0xffff  }
0x5d: {  	v9 =	vadd.s32 $0x2, v47;
	v7 =	vnsel vm13, $0x0, v54  }
0x5e: {  	v7 =	vmin.u32 v7, $0x1FF;
	_ =	sdelay $0x1  }
0x5f: {  	v6 =	vnsel vm0, $0x0, v53  }
0x60: {  	v6 =	vsel vm12, v6, v8  }
0x61: {  	[tilespmem:v9+s26+$0x0] =	vst.idx.msk $0xffff, v6  }
0x62: {  	v6 =	vld.idx.msk [tilespmem:v7+s25+$0x0], $0xffff  }
0x63: {  	v56 =	vmul.u32 $0x3, v52;
	v55 =	vld.idx.msk [tilespmem:v52+s21+$0x0], $0xffff;
	_ =	sdelay $0x1  }
0x64: {  	vm14 =	vlt.s32 v52, v4;
	vm15 =	vge.s32 v52, v3;
	v3 =	vor.u32 $0x200, v7  }
0x65: {  	v57 =	vadd.s32 s29, v1;
	vm0 =	vmand vm15, vm14  }
0x66: {  	v58 =	vnsel vm0, $0x0, v6  }
0x67: {  	v5 =	vsel vm15, v58, v55  }
0x68: {  	[tilespmem:v56+s26+$0x0] =	vst.idx.msk $0xffff, v5  }
0x69: {  	v3 =	vld.idx.msk [tilespmem:v3+s25+$0x0], $0xffff  }
0x6a: {  	v4 =	vld.idx.msk [tilespmem:v57+s21+$0x0], $0xffff  }
0x6b: {  	v59 =	vadd.s32 $0x1, v56  }
0x6c: {  	v60 =	vor.u32 $0x400, v7  }
0x6d: {  	v61 =	vadd.s32 s29, v2  }
0x6e: {  	v3 =	vnsel vm0, $0x0, v3  }
0x6f: {  	v3 =	vsel vm15, v3, v4  }
0x70: {  	[tilespmem:v59+s26+$0x0] =	vst.idx.msk $0xffff, v3  }
0x71: {  	v3 =	vld.idx.msk [tilespmem:v60+s25+$0x0], $0xffff  }
0x72: {  	v62 =	vld.idx.msk [tilespmem:v61+s21+$0x0], $0xffff  }
0x73: {  	v63 =	vadd.s32 $0x2, v56;
	_ =	sdelay $0x2  }
0x74: {  	v3 =	vnsel vm0, $0x0, v3  }
0x75: {  	v3 =	vsel vm15, v3, v62  }
0x76: {  	[tilespmem:v63+s26+$0x0] =	vst.idx.msk $0xffff, v3  }
0x77: {  	[hbm4b:s13+s15] =	stream.strided.scatter [tilespmem:s26], [sflag:$0x1], $0x600, s16, s15, $0x38;
	[tilespmem:$0x4390] =	vst v63  }
0x78: {  	_ =	swait.ge [sflag:s17], $0x600  }
0x79: {  	[sflag:s17] =	ssyncset.done $0x0  }
0x7a: {  	[sflag:s17] =	ssyncadd.s32 $0xFFFFFA00  }
.LBB2_7:
0x7b: {  	s28 =	sadd.s32 $0x1, s28  }
0x7c: {  	p1 =	sne.s32 s28, s14  }
.Ltmp1:
0x7d: {  	_ = 	snop;
	(pc) =	sbr.rel @!p1 .LBB2_8-.Ltmp1, $1  }
0x7e: {  	_ =	sdelay $0x3  }
.LBB2_1:
0x7f: {  	[tilespmem:s2], [sflag:$0x1] =	stream.strided.gather [hbm4b:s3+s15], $0x800, s16, s15, $0x38;
	[tilespmem:$0x4390] =	vst v63  }
0x80: {  	_ =	swait.ge [sflag:s17], $0x800  }
0x81: {  	[sflag:s17] =	ssyncset.done $0x0  }
0x82: {  	[sflag:s17] =	ssyncadd.s32 $0xFFFFF800  }
0x83: {  	[tilespmem:s18], [sflag:$0x1] =	stream.strided.gather [hbm4b:s4+s15], $0x800, s16, s15, $0x38;
	[tilespmem:$0x4390] =	vst v63  }
0x84: {  	_ =	swait.ge [sflag:s17], $0x800  }
0x85: {  	[sflag:s17] =	ssyncset.done $0x0  }
0x86: {  	[sflag:s17] =	ssyncadd.s32 $0xFFFFF800  }
0x87: {  	[tilespmem:s19], [sflag:$0x1] =	stream.strided.gather [hbm4b:s5+s15], $0x800, s16, s15, $0x38;
	[tilespmem:$0x4390] =	vst v63  }
0x88: {  	_ =	swait.ge [sflag:s17], $0x800  }
0x89: {  	[sflag:s17] =	ssyncset.done $0x0  }
0x8a: {  	[sflag:s17] =	ssyncadd.s32 $0xFFFFF800  }
0x8b: {  	[tilespmem:s20], [sflag:$0x1] =	stream.linear.gather [hbm4b:s6+s2], $0x80, $0x38;
	[tilespmem:$0x4390] =	vst v63  }
0x8c: {  	_ =	swait.ge [sflag:s17], $0x80  }
0x8d: {  	[sflag:s17] =	ssyncset.done $0x0  }
0x8e: {  	[sflag:s17] =	ssyncadd.s32 $0xFFFFFF80  }
0x8f: {  	v3 =	vld [tilespmem:$0x3C80]  }
0x90: {  	s29 =	simm.s32 $0x840;
	v4 =	vld [tilespmem:$0x3C90]  }
0x91: {  	v6 =	vld [tilespmem:s29+$0xFFFFF7C0]  }
0x92: {  	v7 =	vld [tilespmem:s29+$0xFFFFFFC0]  }
0x93: {  	v5 =	vld [tilespmem:$0x3CA0]  }
0x94: {  	v8 =	vld [tilespmem:s29+$0x7C0];
	_ =	sdelay $0x2  }
0x95: {  	v6 =	vsub.f32 v6, v3;
	v7 =	vsub.f32 v7, v4;
	_ =	sdelay $0x1  }
0x96: {  	v8 =	vsub.f32 v8, v5;
	v9 =	vmul.f32 v6, v6;
	v10 =	vmul.f32 v7, v7;
	_ =	sdelay $0x1  }
0x97: {  	v9 =	vadd.f32 v10, v9;
	v10 =	vmul.f32 v8, v8;
	_ =	sdelay $0x1  }
0x98: {  	v9 =	vadd.f32 v10, v9;
	_ =	sdelay $0x1  }
0x99: {  	vm0 =	vle.f32 v9, $1.000000000e+00  }
0x9a: {  	v9 =	vmpcnt.ones.xlane vm0  }
0x9b: {  	[tilespmem:s2+$0x1800] =	vst.msk vm0, v6  }
0x9c: {  	[tilespmem:s2+$0x2010] =	vst.msk vm0, v7;
	(v2sf) =	vpush v9, $0x0  }
0x9d: {  	[tilespmem:s2+$0x2820] =	vst.msk vm0, v8  }
0x9e: {  	v6 =	vld [tilespmem:s29+$0xFFFFFFD0]  }
0x9f: {  	v7 =	vld [tilespmem:s29+$0xFFFFF7D0];
	_ =	sdelay $0x1  }
0xa0: {  	v8 =	vld [tilespmem:s29+$0x7D0];
	_ =	sdelay $0x2  }
0xa1: {  	v6 =	vsub.f32 v6, v4;
	v7 =	vsub.f32 v7, v3;
	_ =	sdelay $0x1  }
0xa2: {  	v8 =	vsub.f32 v8, v5;
	v9 =	vmul.f32 v6, v6;
	v10 =	vmul.f32 v7, v7;
	_ =	sdelay $0x1  }
0xa3: {  	v11 =	vmul.f32 v8, v8;
	v9 =	vadd.f32 v9, v10;
	_ =	sdelay $0x1  }
0xa4: {  	v9 =	vadd.f32 v11, v9  }
0xa5: {  	s30 =	spop (v2sf)  }
0xa6: {  	vm9 =	vle.f32 v9, $1.000000000e+00;
	s30 =	sadd.s32 $0x0, s30  }
0xa7: {  	v9 =	vmpcnt.ones.xlane vm9;
	[tilespmem:s30+$0x1800] =	vst.msk vm9, v7  }
0xa8: {  	[tilespmem:s30+$0x2010] =	vst.msk vm9, v6  }
0xa9: {  	(v2sf) =	vpush v9, $0x0;
	[tilespmem:s30+$0x2820] =	vst.msk vm9, v8  }
0xaa: {  	v6 =	vld [tilespmem:s29+$0xFFFFF7E0]  }
0xab: {  	v7 =	vld [tilespmem:s29+$0xFFFFFFE0];
	_ =	sdelay $0x1  }
0xac: {  	v8 =	vld [tilespmem:s29+$0x7E0];
	_ =	sdelay $0x2  }
0xad: {  	v6 =	vsub.f32 v6, v3;
	v7 =	vsub.f32 v7, v4;
	_ =	sdelay $0x1  }
0xae: {  	v8 =	vsub.f32 v8, v5;
	v9 =	vmul.f32 v6, v6;
	v10 =	vmul.f32 v7, v7;
	_ =	sdelay $0x1  }
0xaf: {  	v11 =	vmul.f32 v8, v8;
	v9 =	vadd.f32 v10, v9;
	_ =	sdelay $0x1  }
0xb0: {  	v9 =	vadd.f32 v11, v9;
	_ =	sdelay $0x1  }
0xb1: {  	s31 =	spop (v2sf);
	vm10 =	vle.f32 v9, $1.000000000e+00  }
0xb2: {  	s30 =	sadd.s32 s30, s31;
	v9 =	vmpcnt.ones.xlane vm10  }
0xb3: {  	[tilespmem:s30+$0x1800] =	vst.msk vm10, v6  }
0xb4: {  	[tilespmem:s30+$0x2010] =	vst.msk vm10, v7;
	(v2sf) =	vpush v9, $0x0  }
0xb5: {  	[tilespmem:s30+$0x2820] =	vst.msk vm10, v8  }
0xb6: {  	v6 =	vld [tilespmem:s29+$0xFFFFF7F0]  }
0xb7: {  	v7 =	vld [tilespmem:s29+$0xFFFFFFF0];
	_ =	sdelay $0x1  }
0xb8: {  	v8 =	vld [tilespmem:s29+$0x7F0];
	_ =	sdelay $0x2  }
0xb9: {  	v6 =	vsub.f32 v6, v3;
	v7 =	vsub.f32 v7, v4;
	_ =	sdelay $0x1  }
0xba: {  	v8 =	vsub.f32 v8, v5;
	v9 =	vmul.f32 v6, v6;
	v10 =	vmul.f32 v7, v7;
	_ =	sdelay $0x1  }
0xbb: {  	v9 =	vadd.f32 v10, v9;
	v10 =	vmul.f32 v8, v8;
	_ =	sdelay $0x1  }
0xbc: {  	v9 =	vadd.f32 v10, v9  }
0xbd: {  	s31 =	spop (v2sf)  }
0xbe: {  	vm11 =	vle.f32 v9, $1.000000000e+00;
	s30 =	sadd.s32 s30, s31  }
0xbf: {  	[tilespmem:s30+$0x1800] =	vst.msk vm11, v6;
	v6 =	vmpcnt.ones.xlane vm11  }
0xc0: {  	[tilespmem:s30+$0x2010] =	vst.msk vm11, v7  }
0xc1: {  	[tilespmem:s30+$0x2820] =	vst.msk vm11, v8;
	(v2sf) =	vpush v6, $0x0  }
0xc2: {  	v6 =	vld [tilespmem:s29+$0x0]  }
0xc3: {  	v7 =	vld [tilespmem:s29+$0xFFFFF800];
	_ =	sdelay $0x1  }
0xc4: {  	v8 =	vld [tilespmem:s29+$0x800];
	_ =	sdelay $0x2  }
0xc5: {  	v7 =	vsub.f32 v7, v3;
	v6 =	vsub.f32 v6, v4;
	_ =	sdelay $0x1  }
0xc6: {  	v8 =	vsub.f32 v8, v5;
	v9 =	vmul.f32 v7, v7;
	v10 =	vmul.f32 v6, v6;
	_ =	sdelay $0x1  }
0xc7: {  	v9 =	vadd.f32 v10, v9;
	v10 =	vmul.f32 v8, v8;
	_ =	sdelay $0x1  }
0xc8: {  	v9 =	vadd.f32 v10, v9;
	_ =	sdelay $0x1  }
0xc9: {  	vm12 =	vle.f32 v9, $1.000000000e+00;
	s31 =	spop (v2sf)  }
0xca: {  	v9 =	vmpcnt.ones.xlane vm12;
	s30 =	sadd.s32 s30, s31  }
0xcb: {  	[tilespmem:s30+$0x1800] =	vst.msk vm12, v7  }
0xcc: {  	(v2sf) =	vpush v9, $0x0;
	[tilespmem:s30+$0x2010] =	vst.msk vm12, v6  }
0xcd: {  	[tilespmem:s30+$0x2820] =	vst.msk vm12, v8  }
0xce: {  	v6 =	vld [tilespmem:s29+$0xFFFFF810]  }
0xcf: {  	v7 =	vld [tilespmem:s29+$0x10];
	_ =	sdelay $0x1  }
0xd0: {  	v8 =	vld [tilespmem:s29+$0x810];
	_ =	sdelay $0x2  }
0xd1: {  	v6 =	vsub.f32 v6, v3;
	v7 =	vsub.f32 v7, v4;
	_ =	sdelay $0x1  }
0xd2: {  	v8 =	vsub.f32 v8, v5;
	v9 =	vmul.f32 v6, v6;
	v10 =	vmul.f32 v7, v7;
	_ =	sdelay $0x1  }
0xd3: {  	v9 =	vadd.f32 v10, v9;
	v10 =	vmul.f32 v8, v8;
	_ =	sdelay $0x1  }
0xd4: {  	v9 =	vadd.f32 v10, v9  }
0xd5: {  	s31 =	spop (v2sf)  }
0xd6: {  	s30 =	sadd.s32 s30, s31;
	vm13 =	vle.f32 v9, $1.000000000e+00  }
0xd7: {  	[tilespmem:s30+$0x1800] =	vst.msk vm13, v6;
	v6 =	vmpcnt.ones.xlane vm13;
	_ =	sdelay $0x1  }
0xd8: {  	[tilespmem:s30+$0x2010] =	vst.msk vm13, v7;
	(v2sf) =	vpush v6, $0x0  }
0xd9: {  	[tilespmem:s30+$0x2820] =	vst.msk vm13, v8  }
0xda: {  	v6 =	vld [tilespmem:s29+$0xFFFFF820]  }
0xdb: {  	v7 =	vld [tilespmem:s29+$0x20];
	_ =	sdelay $0x1  }
0xdc: {  	v8 =	vld [tilespmem:s29+$0x820];
	_ =	sdelay $0x2  }
0xdd: {  	v6 =	vsub.f32 v6, v3;
	v7 =	vsub.f32 v7, v4;
	_ =	sdelay $0x1  }
0xde: {  	v8 =	vsub.f32 v8, v5;
	v9 =	vmul.f32 v6, v6;
	v10 =	vmul.f32 v7, v7;
	_ =	sdelay $0x1  }
0xdf: {  	v9 =	vadd.f32 v10, v9;
	v10 =	vmul.f32 v8, v8;
	_ =	sdelay $0x1  }
0xe0: {  	v9 =	vadd.f32 v10, v9  }
0xe1: {  	s31 =	spop (v2sf)  }
0xe2: {  	vm14 =	vle.f32 v9, $1.000000000e+00;
	s30 =	sadd.s32 s30, s31  }
0xe3: {  	v9 =	vmpcnt.ones.xlane vm14;
	[tilespmem:s30+$0x1800] =	vst.msk vm14, v6  }
0xe4: {  	[tilespmem:s30+$0x2010] =	vst.msk vm14, v7  }
0xe5: {  	(v2sf) =	vpush v9, $0x0;
	[tilespmem:s30+$0x2820] =	vst.msk vm14, v8  }
0xe6: {  	v6 =	vld [tilespmem:s29+$0xFFFFF830]  }
0xe7: {  	v7 =	vld [tilespmem:s29+$0x30];
	_ =	sdelay $0x1  }
0xe8: {  	v8 =	vld [tilespmem:s29+$0x830];
	_ =	sdelay $0x2  }
0xe9: {  	v6 =	vsub.f32 v6, v3;
	v7 =	vsub.f32 v7, v4;
	_ =	sdelay $0x1  }
0xea: {  	v8 =	vsub.f32 v8, v5;
	v9 =	vmul.f32 v6, v6;
	v10 =	vmul.f32 v7, v7;
	_ =	sdelay $0x1  }
0xeb: {  	v9 =	vadd.f32 v10, v9;
	v10 =	vmul.f32 v8, v8;
	_ =	sdelay $0x1  }
0xec: {  	v9 =	vadd.f32 v10, v9;
	_ =	sdelay $0x1  }
0xed: {  	s29 =	spop (v2sf);
	vm15 =	vle.f32 v9, $1.000000000e+00  }
0xee: {  	s31 =	sadd.s32 s30, s29;
	v10 =	vmpcnt.ones.xlane vm15  }
0xef: {  	[tilespmem:s31+$0x1800] =	vst.msk vm15, v6  }
0xf0: {  	[tilespmem:s31+$0x2010] =	vst.msk vm15, v7;
	(v2sf) =	vpush v10, $0x0  }
0xf1: {  	s29 =	simm.s32 $0x8C0;
	[tilespmem:s31+$0x2820] =	vst.msk vm15, v8  }
0xf2: {  	v6 =	vld [tilespmem:s29+$0xFFFFF7C0]  }
0xf3: {  	v7 =	vld [tilespmem:s29+$0xFFFFFFC0];
	_ =	sdelay $0x1  }
0xf4: {  	v9 =	vld [tilespmem:s29+$0x7C0];
	_ =	sdelay $0x2  }
0xf5: {  	v8 =	vsub.f32 v6, v3;
	v6 =	vsub.f32 v7, v4;
	_ =	sdelay $0x1  }
0xf6: {  	s30 =	simm.s32 $0x8;
	v7 =	vsub.f32 v9, v5;
	v9 =	vmul.f32 v8, v8;
	v10 =	vmul.f32 v6, v6  }
.LBB2_2:
0xf7: {  	s30 =	sadd.s32 $0x8, s30  }
0xf8: {  	p1 =	slt.u32 s30, $0x78;
	v9 =	vadd.f32 v10, v9;
	v10 =	vmul.f32 v7, v7;
	_ =	sdelay $0x1  }
0xf9: {  	v9 =	vadd.f32 v10, v9  }
0xfa: {  	s1 =	spop (v2sf)  }
0xfb: {  	vm0 =	vle.f32 v9, $1.000000000e+00;
	s1 =	sadd.s32 s31, s1  }
0xfc: {  	[tilespmem:s1+$0x1800] =	vst.msk vm0, v8;
	v8 =	vmpcnt.ones.xlane vm0  }
0xfd: {  	[tilespmem:s1+$0x2010] =	vst.msk vm0, v6  }
0xfe: {  	[tilespmem:s1+$0x2820] =	vst.msk vm0, v7;
	(v2sf) =	vpush v8, $0x0  }
0xff: {  	v6 =	vld [tilespmem:s29+$0xFFFFFFD0]  }
0x100: {  	v7 =	vld [tilespmem:s29+$0xFFFFF7D0]  }
0x101: {  	v8 =	vld [tilespmem:s29+$0x7D0];
	_ =	sdelay $0x2  }
0x102: {  	v6 =	vsub.f32 v6, v4  }
0x103: {  	v7 =	vsub.f32 v7, v3  }
0x104: {  	v8 =	vsub.f32 v8, v5;
	v9 =	vmul.f32 v6, v6  }
0x105: {  	v10 =	vmul.f32 v7, v7  }
0x106: {  	v11 =	vmul.f32 v8, v8  }
0x107: {  	v9 =	vadd.f32 v9, v10;
	_ =	sdelay $0x1  }
0x108: {  	v9 =	vadd.f32 v11, v9;
	_ =	sdelay $0x1  }
0x109: {  	vm0 =	vle.f32 v9, $1.000000000e+00;
	s31 =	spop (v2sf)  }
0x10a: {  	s1 =	sadd.s32 s1, s31;
	v9 =	vmpcnt.ones.xlane vm0  }
0x10b: {  	[tilespmem:s1+$0x1800] =	vst.msk vm0, v7  }
0x10c: {  	[tilespmem:s1+$0x2010] =	vst.msk vm0, v6;
	(v2sf) =	vpush v9, $0x0  }
0x10d: {  	[tilespmem:s1+$0x2820] =	vst.msk vm0, v8  }
0x10e: {  	v6 =	vld [tilespmem:s29+$0xFFFFF7E0]  }
0x10f: {  	v7 =	vld [tilespmem:s29+$0xFFFFFFE0]  }
0x110: {  	v8 =	vld [tilespmem:s29+$0x7E0];
	_ =	sdelay $0x2  }
0x111: {  	v6 =	vsub.f32 v6, v3  }
0x112: {  	v7 =	vsub.f32 v7, v4  }
0x113: {  	v8 =	vsub.f32 v8, v5;
	v9 =	vmul.f32 v6, v6  }
0x114: {  	v10 =	vmul.f32 v7, v7  }
0x115: {  	v11 =	vmul.f32 v8, v8  }
0x116: {  	v9 =	vadd.f32 v10, v9;
	_ =	sdelay $0x1  }
0x117: {  	v9 =	vadd.f32 v11, v9  }
0x118: {  	s31 =	spop (v2sf)  }
0x119: {  	s1 =	sadd.s32 s1, s31;
	vm0 =	vle.f32 v9, $1.000000000e+00  }
0x11a: {  	[tilespmem:s1+$0x1800] =	vst.msk vm0, v6;
	v6 =	vmpcnt.ones.xlane vm0  }
0x11b: {  	[tilespmem:s1+$0x2010] =	vst.msk vm0, v7  }
0x11c: {  	[tilespmem:s1+$0x2820] =	vst.msk vm0, v8;
	(v2sf) =	vpush v6, $0x0  }
0x11d: {  	v6 =	vld [tilespmem:s29+$0x7F0]  }
0x11e: {  	v7 =	vld [tilespmem:s29+$0xFFFFF7F0]  }
0x11f: {  	v8 =	vld [tilespmem:s29+$0xFFFFFFF0];
	_ =	sdelay $0x4  }
0x120: {  	v7 =	vsub.f32 v7, v3;
	v8 =	vsub.f32 v8, v4;
	_ =	sdelay $0x1  }
0x121: {  	v6 =	vsub.f32 v6, v5;
	v9 =	vmul.f32 v7, v7;
	v10 =	vmul.f32 v8, v8;
	_ =	sdelay $0x1  }
0x122: {  	v9 =	vadd.f32 v10, v9;
	v10 =	vmul.f32 v6, v6;
	_ =	sdelay $0x1  }
0x123: {  	v9 =	vadd.f32 v10, v9  }
0x124: {  	s31 =	spop (v2sf)  }
0x125: {  	s1 =	sadd.s32 s1, s31;
	vm0 =	vle.f32 v9, $1.000000000e+00  }
0x126: {  	[tilespmem:s1+$0x1800] =	vst.msk vm0, v7;
	v7 =	vmpcnt.ones.xlane vm0  }
0x127: {  	[tilespmem:s1+$0x2010] =	vst.msk vm0, v8  }
0x128: {  	[tilespmem:s1+$0x2820] =	vst.msk vm0, v6;
	(v2sf) =	vpush v7, $0x0  }
0x129: {  	v6 =	vld [tilespmem:s29+$0x0]  }
0x12a: {  	v7 =	vld [tilespmem:s29+$0xFFFFF800];
	_ =	sdelay $0x1  }
0x12b: {  	v8 =	vld [tilespmem:s29+$0x800];
	_ =	sdelay $0x2  }
0x12c: {  	v6 =	vsub.f32 v6, v4;
	v7 =	vsub.f32 v7, v3;
	_ =	sdelay $0x1  }
0x12d: {  	v10 =	vmul.f32 v6, v6;
	v8 =	vsub.f32 v8, v5;
	v9 =	vmul.f32 v7, v7;
	_ =	sdelay $0x1  }
0x12e: {  	v9 =	vadd.f32 v10, v9;
	v10 =	vmul.f32 v8, v8;
	_ =	sdelay $0x1  }
0x12f: {  	v9 =	vadd.f32 v10, v9;
	_ =	sdelay $0x1  }
0x130: {  	vm0 =	vle.f32 v9, $1.000000000e+00;
	s31 =	spop (v2sf)  }
0x131: {  	s1 =	sadd.s32 s1, s31;
	v9 =	vmpcnt.ones.xlane vm0  }
0x132: {  	[tilespmem:s1+$0x1800] =	vst.msk vm0, v7  }
0x133: {  	[tilespmem:s1+$0x2010] =	vst.msk vm0, v6;
	(v2sf) =	vpush v9, $0x0  }
0x134: {  	[tilespmem:s1+$0x2820] =	vst.msk vm0, v8  }
0x135: {  	v6 =	vld [tilespmem:s29+$0xFFFFF810]  }
0x136: {  	v7 =	vld [tilespmem:s29+$0x10]  }
0x137: {  	v8 =	vld [tilespmem:s29+$0x810];
	_ =	sdelay $0x2  }
0x138: {  	v6 =	vsub.f32 v6, v3  }
0x139: {  	v7 =	vsub.f32 v7, v4  }
0x13a: {  	v9 =	vmul.f32 v6, v6  }
0x13b: {  	v8 =	vsub.f32 v8, v5;
	v10 =	vmul.f32 v7, v7;
	_ =	sdelay $0x1  }
0x13c: {  	v9 =	vadd.f32 v10, v9;
	v10 =	vmul.f32 v8, v8;
	_ =	sdelay $0x1  }
0x13d: {  	v9 =	vadd.f32 v10, v9  }
0x13e: {  	s31 =	spop (v2sf)  }
0x13f: {  	s1 =	sadd.s32 s1, s31;
	vm0 =	vle.f32 v9, $1.000000000e+00  }
0x140: {  	[tilespmem:s1+$0x1800] =	vst.msk vm0, v6;
	v6 =	vmpcnt.ones.xlane vm0  }
0x141: {  	[tilespmem:s1+$0x2010] =	vst.msk vm0, v7  }
0x142: {  	[tilespmem:s1+$0x2820] =	vst.msk vm0, v8;
	(v2sf) =	vpush v6, $0x0  }
0x143: {  	v6 =	vld [tilespmem:s29+$0xFFFFF820]  }
0x144: {  	v7 =	vld [tilespmem:s29+$0x820]  }
0x145: {  	v8 =	vld [tilespmem:s29+$0x20];
	_ =	sdelay $0x4  }
0x146: {  	v6 =	vsub.f32 v6, v3;
	v8 =	vsub.f32 v8, v4;
	_ =	sdelay $0x1  }
0x147: {  	v7 =	vsub.f32 v7, v5;
	v9 =	vmul.f32 v6, v6;
	v10 =	vmul.f32 v8, v8;
	_ =	sdelay $0x1  }
0x148: {  	v9 =	vadd.f32 v10, v9;
	v10 =	vmul.f32 v7, v7;
	_ =	sdelay $0x1  }
0x149: {  	v9 =	vadd.f32 v10, v9  }
0x14a: {  	s31 =	spop (v2sf)  }
0x14b: {  	s1 =	sadd.s32 s1, s31;
	vm0 =	vle.f32 v9, $1.000000000e+00  }
0x14c: {  	[tilespmem:s1+$0x1800] =	vst.msk vm0, v6;
	v6 =	vmpcnt.ones.xlane vm0  }
0x14d: {  	[tilespmem:s1+$0x2010] =	vst.msk vm0, v8  }
0x14e: {  	[tilespmem:s1+$0x2820] =	vst.msk vm0, v7;
	(v2sf) =	vpush v6, $0x0  }
0x14f: {  	v6 =	vld [tilespmem:s29+$0xFFFFF830]  }
0x150: {  	v7 =	vld [tilespmem:s29+$0x30]  }
0x151: {  	v8 =	vld [tilespmem:s29+$0x830];
	_ =	sdelay $0x3  }
0x152: {  	v6 =	vsub.f32 v6, v3;
	v7 =	vsub.f32 v7, v4;
	_ =	sdelay $0x1  }
0x153: {  	v8 =	vsub.f32 v8, v5;
	v9 =	vmul.f32 v6, v6;
	v10 =	vmul.f32 v7, v7;
	_ =	sdelay $0x1  }
0x154: {  	v9 =	vadd.f32 v10, v9;
	v10 =	vmul.f32 v8, v8;
	_ =	sdelay $0x1  }
0x155: {  	v9 =	vadd.f32 v10, v9;
	_ =	sdelay $0x1  }
0x156: {  	s29 =	sadd.s32 $0x80, s29;
	vm0 =	vle.f32 v9, $1.000000000e+00;
	s31 =	spop (v2sf)  }
0x157: {  	s31 =	sadd.s32 s1, s31;
	v9 =	vmpcnt.ones.xlane vm0  }
0x158: {  	[tilespmem:s31+$0x1800] =	vst.msk vm0, v6  }
0x159: {  	[tilespmem:s31+$0x2010] =	vst.msk vm0, v7;
	(v2sf) =	vpush v9, $0x0  }
0x15a: {  	[tilespmem:s31+$0x2820] =	vst.msk vm0, v8  }
0x15b: {  	v6 =	vld [tilespmem:s29+$0xFFFFF7C0]  }
0x15c: {  	v7 =	vld [tilespmem:s29+$0xFFFFFFC0];
	_ =	sdelay $0x1  }
0x15d: {  	v9 =	vld [tilespmem:s29+$0x7C0]  }
.Ltmp2:
0x15e: {  	(pc) =	sbr.rel @p1 .LBB2_2-.Ltmp2, $3  }
0x15f: {  	_ = 	snop  }
0x160: {  	v8 =	vsub.f32 v6, v3;
	v6 =	vsub.f32 v7, v4;
	_ =	sdelay $0x1  }
0x161: {  	v7 =	vsub.f32 v9, v5;
	v9 =	vmul.f32 v8, v8;
	v10 =	vmul.f32 v6, v6  }
0x162: {  	_ = 	snop  }
0x163: {  	v9 =	vadd.f32 v10, v9;
	v40 =	vmul.f32 v7, v7;
	_ =	sdelay $0x1  }
0x164: {  	v9 =	vadd.f32 v40, v9  }
0x165: {  	s1 =	spop (v2sf)  }
0x166: {  	vm0 =	vle.f32 v9, $1.000000000e+00;
	s1 =	sadd.s32 s31, s1  }
0x167: {  	[tilespmem:s1+$0x1800] =	vst.msk vm0, v8;
	v41 =	vmpcnt.ones.xlane vm0  }
0x168: {  	[tilespmem:s1+$0x2010] =	vst.msk vm0, v6  }
0x169: {  	[tilespmem:s1+$0x2820] =	vst.msk vm0, v7;
	(v2sf) =	vpush v41, $0x0  }
0x16a: {  	v6 =	vld [tilespmem:s29+$0xFFFFFFD0]  }
0x16b: {  	v7 =	vld [tilespmem:s29+$0xFFFFF7D0];
	_ =	sdelay $0x1  }
0x16c: {  	v42 =	vld [tilespmem:s29+$0x7D0];
	_ =	sdelay $0x2  }
0x16d: {  	v6 =	vsub.f32 v6, v4;
	v7 =	vsub.f32 v7, v3;
	_ =	sdelay $0x1  }
0x16e: {  	v8 =	vsub.f32 v42, v5;
	v43 =	vmul.f32 v6, v6;
	v44 =	vmul.f32 v7, v7;
	_ =	sdelay $0x1  }
0x16f: {  	v11 =	vmul.f32 v8, v8;
	v9 =	vadd.f32 v43, v44;
	_ =	sdelay $0x1  }
0x170: {  	v9 =	vadd.f32 v11, v9;
	_ =	sdelay $0x1  }
0x171: {  	vm9 =	vle.f32 v9, $1.000000000e+00;
	s30 =	spop (v2sf)  }
0x172: {  	v9 =	vmpcnt.ones.xlane vm9;
	s1 =	sadd.s32 s1, s30  }
0x173: {  	[tilespmem:s1+$0x1800] =	vst.msk vm9, v7  }
0x174: {  	(v2sf) =	vpush v9, $0x0;
	[tilespmem:s1+$0x2010] =	vst.msk vm9, v6  }
0x175: {  	[tilespmem:s1+$0x2820] =	vst.msk vm9, v8  }
0x176: {  	v6 =	vld [tilespmem:s29+$0xFFFFF7E0]  }
0x177: {  	v7 =	vld [tilespmem:s29+$0xFFFFFFE0];
	_ =	sdelay $0x1  }
0x178: {  	v8 =	vld [tilespmem:s29+$0x7E0];
	_ =	sdelay $0x2  }
0x179: {  	v6 =	vsub.f32 v6, v3;
	v7 =	vsub.f32 v7, v4;
	_ =	sdelay $0x1  }
0x17a: {  	v8 =	vsub.f32 v8, v5;
	v45 =	vmul.f32 v6, v6;
	v46 =	vmul.f32 v7, v7;
	_ =	sdelay $0x1  }
0x17b: {  	v47 =	vmul.f32 v8, v8;
	v9 =	vadd.f32 v46, v45;
	_ =	sdelay $0x1  }
0x17c: {  	v9 =	vadd.f32 v47, v9  }
0x17d: {  	s31 =	spop (v2sf)  }
0x17e: {  	s1 =	sadd.s32 s1, s31;
	vm10 =	vle.f32 v9, $1.000000000e+00  }
0x17f: {  	[tilespmem:s1+$0x1800] =	vst.msk vm10, v6;
	v48 =	vmpcnt.ones.xlane vm10  }
0x180: {  	[tilespmem:s1+$0x2010] =	vst.msk vm10, v7  }
0x181: {  	[tilespmem:s1+$0x2820] =	vst.msk vm10, v8;
	(v2sf) =	vpush v48, $0x0  }
0x182: {  	v49 =	vld [tilespmem:s29+$0xFFFFF7F0]  }
0x183: {  	v7 =	vld [tilespmem:s29+$0xFFFFFFF0];
	_ =	sdelay $0x1  }
0x184: {  	v8 =	vld [tilespmem:s29+$0x7F0];
	_ =	sdelay $0x2  }
0x185: {  	v6 =	vsub.f32 v49, v3;
	v7 =	vsub.f32 v7, v4;
	_ =	sdelay $0x1  }
0x186: {  	v8 =	vsub.f32 v8, v5;
	v50 =	vmul.f32 v6, v6;
	v51 =	vmul.f32 v7, v7;
	_ =	sdelay $0x1  }
0x187: {  	v52 =	vmul.f32 v8, v8;
	v9 =	vadd.f32 v51, v50;
	_ =	sdelay $0x1  }
0x188: {  	v9 =	vadd.f32 v52, v9;
	_ =	sdelay $0x1  }
0x189: {  	vm11 =	vle.f32 v9, $1.000000000e+00;
	s31 =	spop (v2sf)  }
0x18a: {  	v9 =	vmpcnt.ones.xlane vm11;
	s1 =	sadd.s32 s1, s31  }
0x18b: {  	[tilespmem:s1+$0x1800] =	vst.msk vm11, v6  }
0x18c: {  	(v2sf) =	vpush v9, $0x0;
	[tilespmem:s1+$0x2010] =	vst.msk vm11, v7  }
0x18d: {  	[tilespmem:s1+$0x2820] =	vst.msk vm11, v8  }
0x18e: {  	v6 =	vld [tilespmem:s29+$0x0]  }
0x18f: {  	v7 =	vld [tilespmem:s29+$0xFFFFF800];
	_ =	sdelay $0x1  }
0x190: {  	v8 =	vld [tilespmem:s29+$0x800];
	_ =	sdelay $0x2  }
0x191: {  	v7 =	vsub.f32 v7, v3;
	v6 =	vsub.f32 v6, v4;
	_ =	sdelay $0x1  }
0x192: {  	v8 =	vsub.f32 v8, v5;
	v53 =	vmul.f32 v7, v7;
	v54 =	vmul.f32 v6, v6;
	_ =	sdelay $0x1  }
0x193: {  	v55 =	vmul.f32 v8, v8;
	v9 =	vadd.f32 v54, v53;
	_ =	sdelay $0x1  }
0x194: {  	v9 =	vadd.f32 v55, v9  }
0x195: {  	s31 =	spop (v2sf)  }
0x196: {  	vm12 =	vle.f32 v9, $1.000000000e+00;
	s1 =	sadd.s32 s1, s31  }
0x197: {  	v9 =	vmpcnt.ones.xlane vm12;
	[tilespmem:s1+$0x1800] =	vst.msk vm12, v7  }
0x198: {  	[tilespmem:s1+$0x2010] =	vst.msk vm12, v6  }
0x199: {  	(v2sf) =	vpush v9, $0x0;
	[tilespmem:s1+$0x2820] =	vst.msk vm12, v8  }
0x19a: {  	v6 =	vld [tilespmem:s29+$0xFFFFF810]  }
0x19b: {  	v7 =	vld [tilespmem:s29+$0x10];
	_ =	sdelay $0x1  }
0x19c: {  	v8 =	vld [tilespmem:s29+$0x810];
	_ =	sdelay $0x2  }
0x19d: {  	v6 =	vsub.f32 v6, v3;
	v7 =	vsub.f32 v7, v4;
	_ =	sdelay $0x1  }
0x19e: {  	v8 =	vsub.f32 v8, v5;
	v56 =	vmul.f32 v6, v6;
	v57 =	vmul.f32 v7, v7;
	_ =	sdelay $0x1  }
0x19f: {  	v58 =	vmul.f32 v8, v8;
	v9 =	vadd.f32 v57, v56;
	_ =	sdelay $0x1  }
0x1a0: {  	v9 =	vadd.f32 v58, v9;
	_ =	sdelay $0x1  }
0x1a1: {  	vm13 =	vle.f32 v9, $1.000000000e+00;
	s31 =	spop (v2sf)  }
0x1a2: {  	v9 =	vmpcnt.ones.xlane vm13;
	s1 =	sadd.s32 s1, s31  }
0x1a3: {  	[tilespmem:s1+$0x1800] =	vst.msk vm13, v6  }
0x1a4: {  	(v2sf) =	vpush v9, $0x0;
	[tilespmem:s1+$0x2010] =	vst.msk vm13, v7  }
0x1a5: {  	[tilespmem:s1+$0x2820] =	vst.msk vm13, v8  }
0x1a6: {  	v6 =	vld [tilespmem:s29+$0xFFFFF820]  }
0x1a7: {  	v7 =	vld [tilespmem:s29+$0x20];
	_ =	sdelay $0x1  }
0x1a8: {  	v8 =	vld [tilespmem:s29+$0x820];
	_ =	sdelay $0x2  }
0x1a9: {  	v6 =	vsub.f32 v6, v3;
	v7 =	vsub.f32 v7, v4;
	_ =	sdelay $0x1  }
0x1aa: {  	v8 =	vsub.f32 v8, v5;
	v59 =	vmul.f32 v6, v6;
	v60 =	vmul.f32 v7, v7;
	_ =	sdelay $0x1  }
0x1ab: {  	v61 =	vmul.f32 v8, v8;
	v9 =	vadd.f32 v60, v59;
	_ =	sdelay $0x1  }
0x1ac: {  	v9 =	vadd.f32 v61, v9  }
0x1ad: {  	s31 =	spop (v2sf)  }
0x1ae: {  	s1 =	sadd.s32 s1, s31;
	vm14 =	vle.f32 v9, $1.000000000e+00  }
0x1af: {  	[tilespmem:s1+$0x1800] =	vst.msk vm14, v6  }
0x1b0: {  	[tilespmem:s1+$0x2010] =	vst.msk vm14, v7  }
0x1b1: {  	[tilespmem:s1+$0x2820] =	vst.msk vm14, v8  }
0x1b2: {  	v6 =	vld [tilespmem:s29+$0xFFFFF830]  }
0x1b3: {  	v7 =	vld [tilespmem:s29+$0x30];
	_ =	sdelay $0x1  }
0x1b4: {  	v8 =	vld [tilespmem:s29+$0x830];
	_ =	sdelay $0x2  }
0x1b5: {  	v3 =	vsub.f32 v6, v3;
	v4 =	vsub.f32 v7, v4;
	_ =	sdelay $0x1  }
0x1b6: {  	v5 =	vsub.f32 v8, v5;
	v6 =	vmul.f32 v3, v3;
	v7 =	vmul.f32 v4, v4;
	_ =	sdelay $0x1  }
0x1b7: {  	v62 =	vmul.f32 v5, v5;
	v6 =	vadd.f32 v7, v6;
	_ =	sdelay $0x1  }
0x1b8: {  	v6 =	vadd.f32 v62, v6  }
0x1b9: {  	v63 =	vmpcnt.ones.xlane vm14  }
0x1ba: {  	vm15 =	vle.f32 v6, $1.000000000e+00  }
0x1bb: {  	(v2sf) =	vpush v63, $0x0;
	v6 =	vmpcnt.ones.xlane vm15;
	_ =	sdelay $0x1  }
0x1bc: {  	(v2sf) =	vpush v6, $0x0;
	_ =	sdelay $0xc  }
0x1bd: {  	s30 =	spop (v2sf)  }
0x1be: {  	s1 =	sadd.s32 s1, s30  }
0x1bf: {  	[tilespmem:s1+$0x1800] =	vst.msk vm15, v3;
	s31 =	spop (v2sf)  }
0x1c0: {  	[tilespmem:s1+$0x2010] =	vst.msk vm15, v4;
	s29 =	sadd.s32 s1, s31  }
0x1c1: {  	[tilespmem:s1+$0x2820] =	vst.msk vm15, v5;
	v3 =	vmov s29  }
0x1c2: {  	[tilespmem:$0x3D00] =	vst v3  }
0x1c3: {  	[spmem:s7] =	stream.linear.scatter [tilespmem:s21], [sflag:$0x1], $0x200, $0x38;
	[tilespmem:$0x4390] =	vst v63  }
0x1c4: {  	_ =	swait.ge [sflag:s17], $0x200  }
0x1c5: {  	[sflag:s17] =	ssyncset.done $0x0  }
0x1c6: {  	[sflag:s17] =	ssyncadd.s32 $0xFFFFFE00  }
0x1c7: {  	[spmem:s8] =	stream.linear.scatter [tilespmem:s22], [sflag:$0x1], $0x200, $0x38;
	[tilespmem:$0x4390] =	vst v63  }
0x1c8: {  	_ =	swait.ge [sflag:s17], $0x200  }
0x1c9: {  	[sflag:s17] =	ssyncset.done $0x0  }
0x1ca: {  	[sflag:s17] =	ssyncadd.s32 $0xFFFFFE00  }
0x1cb: {  	[spmem:s9] =	stream.linear.scatter [tilespmem:s23], [sflag:$0x1], $0x200, $0x38;
	[tilespmem:$0x4390] =	vst v63  }
0x1cc: {  	_ =	swait.ge [sflag:s17], $0x200  }
0x1cd: {  	[sflag:s17] =	ssyncset.done $0x0  }
0x1ce: {  	[sflag:s17] =	ssyncadd.s32 $0xFFFFFE00  }
0x1cf: {  	[spmem:s10] =	stream.linear.scatter [tilespmem:s24], [sflag:$0x1], $0x10, $0x38;
	[tilespmem:$0x4390] =	vst v63  }
.Ltmp3:
0x1d0: {  	_ =	swait.ge [sflag:s17], $0x10;
	(pc) =	sbr.rel @p0 .LBB2_7-.Ltmp3, $3  }
0x1d1: {  	[sflag:s17] =	ssyncset.done $0x0  }
0x1d2: {  	[sflag:s17] =	ssyncadd.s32 $0xFFFFFFF0  }
0x1d3: {  	[bflag:$0x0] =	sbarrier.arrive $0xFFFF;
	_ =	sdelay $0x1  }
0x1d4: {  	[tilespmem:s25], [sflag:$0x1] =	stream.linear.gather [spmem:s11], $0x600, $0x38;
	[tilespmem:$0x4390] =	vst v63  }
0x1d5: {  	s1 =	simm.s32 $0x0;
	_ =	swait.ge [sflag:s17], $0x600  }
0x1d6: {  	v5 =	vor.u32 s1, v0;
	[sflag:s17] =	ssyncset.done $0x0  }
0x1d7: {  	v4 =	vsub.s32 v5, v3;
	[sflag:s17] =	ssyncadd.s32 $0xFFFFFA00  }
0x1d8: {  	vm0 =	vgt.s32 v4, $0x0;
	[tilespmem:s24], [sflag:$0x1] =	stream.linear.gather [spmem:s12], $0x10, $0x38;
	[tilespmem:$0x4390] =	vst v63  }
0x1d9: {  	v4 =	vnsel vm0, $0x0, v4;
	_ =	swait.ge [sflag:s17], $0x10  }
0x1da: {  	v6 =	vmin.u32 v4, $0x1FF;
	[sflag:s17] =	ssyncset.done $0x0  }
0x1db: {  	[sflag:s17] =	ssyncadd.s32 $0xFFFFFFF0  }
0x1dc: {  	v4 =	vld [tilespmem:$0x3D00];
	_ =	sdelay $0x2  }
0x1dd: {  	v7 =	vld.idx.msk [tilespmem:v6+s25+$0x0], $0xffff  }
0x1de: {  	v9 =	vmul.u32 $0x3, v5;
	v8 =	vld.idx.msk [tilespmem:v5+s21+$0x0], $0xffff  }
0x1df: {  	v4 =	vadd.s32 v3, v4  }
0x1e0: {  	vm1 =	vge.s32 v5, v3;
	vm0 =	vlt.s32 v5, v4;
	v5 =	vor.u32 $0x200, v6  }
0x1e1: {  	v10 =	vor.u32 s1, v1;
	vm0 =	vmand vm1, vm0  }
0x1e2: {  	v7 =	vnsel vm0, $0x0, v7  }
0x1e3: {  	v7 =	vsel vm1, v7, v8  }
0x1e4: {  	[tilespmem:v9+s26+$0x0] =	vst.idx.msk $0xffff, v7  }
0x1e5: {  	v5 =	vld.idx.msk [tilespmem:v5+s25+$0x0], $0xffff  }
0x1e6: {  	v7 =	vld.idx.msk [tilespmem:v10+s21+$0x0], $0xffff  }
0x1e7: {  	v8 =	vadd.s32 $0x1, v9  }
0x1e8: {  	v6 =	vor.u32 $0x400, v6  }
0x1e9: {  	v10 =	vor.u32 s1, v2  }
0x1ea: {  	v5 =	vnsel vm0, $0x0, v5  }
0x1eb: {  	s1 =	simm.s32 $0x10;
	v5 =	vsel vm1, v5, v7  }
0x1ec: {  	[tilespmem:v8+s26+$0x0] =	vst.idx.msk $0xffff, v5;
	v5 =	vor.u32 s1, v0  }
0x1ed: {  	v6 =	vld.idx.msk [tilespmem:v6+s25+$0x0], $0xffff;
	v7 =	vsub.s32 v5, v3  }
0x1ee: {  	v8 =	vld.idx.msk [tilespmem:v10+s21+$0x0], $0xffff;
	vm2 =	vgt.s32 v7, $0x0  }
0x1ef: {  	v9 =	vadd.s32 $0x2, v9;
	v7 =	vnsel vm2, $0x0, v7  }
0x1f0: {  	v7 =	vmin.u32 v7, $0x1FF;
	_ =	sdelay $0x1  }
0x1f1: {  	v6 =	vnsel vm0, $0x0, v6  }
0x1f2: {  	v6 =	vsel vm1, v6, v8  }
0x1f3: {  	[tilespmem:v9+s26+$0x0] =	vst.idx.msk $0xffff, v6  }
0x1f4: {  	v6 =	vld.idx.msk [tilespmem:v7+s25+$0x0], $0xffff  }
0x1f5: {  	v9 =	vmul.u32 $0x3, v5;
	v8 =	vld.idx.msk [tilespmem:v5+s21+$0x0], $0xffff;
	_ =	sdelay $0x1  }
0x1f6: {  	vm0 =	vlt.s32 v5, v4;
	vm1 =	vge.s32 v5, v3;
	v5 =	vor.u32 $0x200, v7  }
0x1f7: {  	v10 =	vadd.s32 s1, v1;
	vm0 =	vmand vm1, vm0  }
0x1f8: {  	v6 =	vnsel vm0, $0x0, v6  }
0x1f9: {  	v6 =	vsel vm1, v6, v8  }
0x1fa: {  	[tilespmem:v9+s26+$0x0] =	vst.idx.msk $0xffff, v6  }
0x1fb: {  	v5 =	vld.idx.msk [tilespmem:v5+s25+$0x0], $0xffff  }
0x1fc: {  	v6 =	vld.idx.msk [tilespmem:v10+s21+$0x0], $0xffff  }
0x1fd: {  	v8 =	vadd.s32 $0x1, v9  }
0x1fe: {  	v7 =	vor.u32 $0x400, v7  }
0x1ff: {  	v10 =	vor.u32 s1, v2  }
0x200: {  	v5 =	vnsel vm0, $0x0, v5  }
0x201: {  	s1 =	simm.s32 $0x20;
	v5 =	vsel vm1, v5, v6  }
0x202: {  	[tilespmem:v8+s26+$0x0] =	vst.idx.msk $0xffff, v5;
	v5 =	vor.u32 s1, v0  }
0x203: {  	v6 =	vld.idx.msk [tilespmem:v7+s25+$0x0], $0xffff;
	v7 =	vsub.s32 v5, v3  }
0x204: {  	v8 =	vld.idx.msk [tilespmem:v10+s21+$0x0], $0xffff;
	vm2 =	vgt.s32 v7, $0x0  }
0x205: {  	v9 =	vadd.s32 $0x2, v9;
	v7 =	vnsel vm2, $0x0, v7  }
0x206: {  	v7 =	vmin.u32 v7, $0x1FF;
	_ =	sdelay $0x1  }
0x207: {  	v6 =	vnsel vm0, $0x0, v6  }
0x208: {  	v6 =	vsel vm1, v6, v8  }
0x209: {  	[tilespmem:v9+s26+$0x0] =	vst.idx.msk $0xffff, v6  }
0x20a: {  	v6 =	vld.idx.msk [tilespmem:v7+s25+$0x0], $0xffff  }
0x20b: {  	v9 =	vmul.u32 $0x3, v5;
	v8 =	vld.idx.msk [tilespmem:v5+s21+$0x0], $0xffff;
	_ =	sdelay $0x1  }
0x20c: {  	vm0 =	vlt.s32 v5, v4;
	vm1 =	vge.s32 v5, v3;
	v5 =	vor.u32 $0x200, v7  }
0x20d: {  	v10 =	vor.u32 s1, v1;
	vm0 =	vmand vm1, vm0  }
0x20e: {  	v6 =	vnsel vm0, $0x0, v6  }
0x20f: {  	v6 =	vsel vm1, v6, v8  }
0x210: {  	[tilespmem:v9+s26+$0x0] =	vst.idx.msk $0xffff, v6  }
0x211: {  	v5 =	vld.idx.msk [tilespmem:v5+s25+$0x0], $0xffff  }
0x212: {  	v6 =	vld.idx.msk [tilespmem:v10+s21+$0x0], $0xffff  }
0x213: {  	v8 =	vadd.s32 $0x1, v9  }
0x214: {  	v7 =	vor.u32 $0x400, v7  }
0x215: {  	v10 =	vadd.s32 s1, v2  }
0x216: {  	v5 =	vnsel vm0, $0x0, v5  }
0x217: {  	s1 =	simm.s32 $0x30;
	v5 =	vsel vm1, v5, v6  }
0x218: {  	[tilespmem:v8+s26+$0x0] =	vst.idx.msk $0xffff, v5;
	v5 =	vor.u32 s1, v0  }
0x219: {  	v6 =	vld.idx.msk [tilespmem:v7+s25+$0x0], $0xffff;
	v7 =	vsub.s32 v5, v3  }
0x21a: {  	v8 =	vld.idx.msk [tilespmem:v10+s21+$0x0], $0xffff;
	vm2 =	vgt.s32 v7, $0x0  }
0x21b: {  	v9 =	vadd.s32 $0x2, v9;
	v7 =	vnsel vm2, $0x0, v7  }
0x21c: {  	v7 =	vmin.u32 v7, $0x1FF;
	_ =	sdelay $0x1  }
0x21d: {  	v6 =	vnsel vm0, $0x0, v6  }
0x21e: {  	v6 =	vsel vm1, v6, v8  }
0x21f: {  	[tilespmem:v9+s26+$0x0] =	vst.idx.msk $0xffff, v6  }
0x220: {  	v6 =	vld.idx.msk [tilespmem:v7+s25+$0x0], $0xffff  }
0x221: {  	v9 =	vmul.u32 $0x3, v5;
	v8 =	vld.idx.msk [tilespmem:v5+s21+$0x0], $0xffff;
	_ =	sdelay $0x1  }
0x222: {  	vm2 =	vge.s32 v5, v3;
	vm0 =	vlt.s32 v5, v4;
	v5 =	vor.u32 $0x200, v7  }
0x223: {  	v10 =	vadd.s32 s1, v1;
	vm0 =	vmand vm2, vm0  }
0x224: {  	v6 =	vnsel vm0, $0x0, v6  }
0x225: {  	v6 =	vsel vm2, v6, v8  }
0x226: {  	[tilespmem:v9+s26+$0x0] =	vst.idx.msk $0xffff, v6  }
0x227: {  	v5 =	vld.idx.msk [tilespmem:v5+s25+$0x0], $0xffff  }
0x228: {  	v6 =	vld.idx.msk [tilespmem:v10+s21+$0x0], $0xffff  }
0x229: {  	v8 =	vadd.s32 $0x1, v9  }
0x22a: {  	v7 =	vor.u32 $0x400, v7;
	_ =	sdelay $0x1  }
0x22b: {  	v5 =	vnsel vm0, $0x0, v5  }
0x22c: {  	v10 =	vadd.s32 s1, v2;
	v5 =	vsel vm2, v5, v6  }
0x22d: {  	[tilespmem:v8+s26+$0x0] =	vst.idx.msk $0xffff, v5  }
0x22e: {  	s31 =	simm.s32 $0x40;
	v5 =	vld.idx.msk [tilespmem:v7+s25+$0x0], $0xffff  }
0x22f: {  	v6 =	vor.u32 s31, v0  }
0x230: {  	v7 =	vsub.s32 v6, v3  }
0x231: {  	v8 =	vld.idx.msk [tilespmem:v10+s21+$0x0], $0xffff;
	vm3 =	vgt.s32 v7, $0x0  }
0x232: {  	v10 =	vnsel vm3, $0x0, v7;
	v7 =	vadd.s32 $0x2, v9  }
0x233: {  	v11 =	vnsel vm0, $0x0, v5;
	v5 =	vmin.u32 v10, $0x1FF;
	_ =	sdelay $0x2  }
0x234: {  	s30 =	simm.s32 $0x4;
	s29 =	simm.s32 $0x70;
	vm1 =	vlt.s32 v6, v4;
	v8 =	vsel vm2, v11, v8  }
.LBB2_5:
0x235: {  	s30 =	sadd.s32 $0x4, s30;
	[tilespmem:v7+s26+$0x0] =	vst.idx.msk $0xffff, v8  }
0x236: {  	p1 =	slt.u32 s30, $0x1C;
	v7 =	vld.idx.msk [tilespmem:v5+s25+$0x0], $0xffff  }
0x237: {  	v8 =	vld.idx.msk [tilespmem:v6+s21+$0x0], $0xffff  }
0x238: {  	v9 =	vmul.u32 $0x3, v6;
	_ =	sdelay $0x1  }
0x239: {  	vm0 =	vge.s32 v6, v3;
	v6 =	vor.u32 $0x200, v5  }
0x23a: {  	v10 =	vor.u32 s31, v1;
	vm1 =	vmand vm0, vm1  }
0x23b: {  	v7 =	vnsel vm1, $0x0, v7  }
0x23c: {  	v7 =	vsel vm0, v7, v8  }
0x23d: {  	[tilespmem:v9+s26+$0x0] =	vst.idx.msk $0xffff, v7  }
0x23e: {  	v6 =	vld.idx.msk [tilespmem:v6+s25+$0x0], $0xffff  }
0x23f: {  	v7 =	vld.idx.msk [tilespmem:v10+s21+$0x0], $0xffff;
	_ =	sdelay $0x1  }
0x240: {  	v8 =	vadd.s32 $0x1, v9  }
0x241: {  	v5 =	vor.u32 $0x400, v5  }
0x242: {  	v10 =	vor.u32 s31, v2  }
0x243: {  	v6 =	vnsel vm1, $0x0, v6  }
0x244: {  	v6 =	vsel vm0, v6, v7  }
0x245: {  	s1 =	sadd.s32 $0xFFFFFFE0, s29;
	[tilespmem:v8+s26+$0x0] =	vst.idx.msk $0xffff, v6  }
0x246: {  	v6 =	vor.u32 s1, v0;
	v5 =	vld.idx.msk [tilespmem:v5+s25+$0x0], $0xffff  }
0x247: {  	vm2 =	vlt.s32 v6, v4;
	v8 =	vsub.s32 v6, v3;
	v7 =	vld.idx.msk [tilespmem:v10+s21+$0x0], $0xffff  }
0x248: {  	vm3 =	vgt.s32 v8, $0x0  }
0x249: {  	v9 =	vadd.s32 $0x2, v9;
	v8 =	vnsel vm3, $0x0, v8  }
0x24a: {  	v8 =	vmin.u32 v8, $0x1FF;
	_ =	sdelay $0x1  }
0x24b: {  	v5 =	vnsel vm1, $0x0, v5  }
0x24c: {  	v5 =	vsel vm0, v5, v7  }
0x24d: {  	[tilespmem:v9+s26+$0x0] =	vst.idx.msk $0xffff, v5  }
0x24e: {  	v5 =	vld.idx.msk [tilespmem:v8+s25+$0x0], $0xffff  }
0x24f: {  	v7 =	vld.idx.msk [tilespmem:v6+s21+$0x0], $0xffff  }
0x250: {  	v9 =	vmul.u32 $0x3, v6;
	_ =	sdelay $0x1  }
0x251: {  	vm0 =	vge.s32 v6, v3;
	v6 =	vor.u32 $0x200, v8  }
0x252: {  	v10 =	vadd.s32 s1, v1;
	vm1 =	vmand vm0, vm2  }
0x253: {  	v5 =	vnsel vm1, $0x0, v5  }
0x254: {  	v5 =	vsel vm0, v5, v7  }
0x255: {  	[tilespmem:v9+s26+$0x0] =	vst.idx.msk $0xffff, v5  }
0x256: {  	v5 =	vld.idx.msk [tilespmem:v6+s25+$0x0], $0xffff  }
0x257: {  	v6 =	vld.idx.msk [tilespmem:v10+s21+$0x0], $0xffff;
	_ =	sdelay $0x1  }
0x258: {  	v7 =	vadd.s32 $0x1, v9  }
0x259: {  	v8 =	vor.u32 $0x400, v8  }
0x25a: {  	v10 =	vor.u32 s1, v2  }
0x25b: {  	v5 =	vnsel vm1, $0x0, v5  }
0x25c: {  	v5 =	vsel vm0, v5, v6  }
0x25d: {  	s1 =	sadd.s32 $0xFFFFFFF0, s29;
	[tilespmem:v7+s26+$0x0] =	vst.idx.msk $0xffff, v5  }
0x25e: {  	v6 =	vor.u32 s1, v0;
	v5 =	vld.idx.msk [tilespmem:v8+s25+$0x0], $0xffff  }
0x25f: {  	vm2 =	vlt.s32 v6, v4;
	v8 =	vsub.s32 v6, v3;
	v7 =	vld.idx.msk [tilespmem:v10+s21+$0x0], $0xffff  }
0x260: {  	vm3 =	vgt.s32 v8, $0x0  }
0x261: {  	v9 =	vadd.s32 $0x2, v9;
	v8 =	vnsel vm3, $0x0, v8  }
0x262: {  	v8 =	vmin.u32 v8, $0x1FF;
	_ =	sdelay $0x1  }
0x263: {  	v5 =	vnsel vm1, $0x0, v5  }
0x264: {  	v5 =	vsel vm0, v5, v7  }
0x265: {  	[tilespmem:v9+s26+$0x0] =	vst.idx.msk $0xffff, v5  }
0x266: {  	v5 =	vld.idx.msk [tilespmem:v8+s25+$0x0], $0xffff  }
0x267: {  	v7 =	vld.idx.msk [tilespmem:v6+s21+$0x0], $0xffff  }
0x268: {  	v9 =	vmul.u32 $0x3, v6;
	_ =	sdelay $0x1  }
0x269: {  	vm0 =	vge.s32 v6, v3;
	v6 =	vor.u32 $0x200, v8  }
0x26a: {  	v10 =	vor.u32 s1, v1;
	vm1 =	vmand vm0, vm2  }
0x26b: {  	v5 =	vnsel vm1, $0x0, v5  }
0x26c: {  	v5 =	vsel vm0, v5, v7  }
0x26d: {  	[tilespmem:v9+s26+$0x0] =	vst.idx.msk $0xffff, v5  }
0x26e: {  	v5 =	vld.idx.msk [tilespmem:v6+s25+$0x0], $0xffff  }
0x26f: {  	v6 =	vld.idx.msk [tilespmem:v10+s21+$0x0], $0xffff;
	_ =	sdelay $0x1  }
0x270: {  	v7 =	vadd.s32 $0x1, v9  }
0x271: {  	v8 =	vor.u32 $0x400, v8  }
0x272: {  	v10 =	vadd.s32 s1, v2  }
0x273: {  	v5 =	vnsel vm1, $0x0, v5  }
0x274: {  	v5 =	vsel vm0, v5, v6  }
0x275: {  	[tilespmem:v7+s26+$0x0] =	vst.idx.msk $0xffff, v5  }
0x276: {  	v6 =	vor.u32 s29, v0;
	v5 =	vld.idx.msk [tilespmem:v8+s25+$0x0], $0xffff  }
0x277: {  	vm2 =	vlt.s32 v6, v4;
	v8 =	vsub.s32 v6, v3;
	v7 =	vld.idx.msk [tilespmem:v10+s21+$0x0], $0xffff  }
0x278: {  	vm3 =	vgt.s32 v8, $0x0  }
0x279: {  	v9 =	vadd.s32 $0x2, v9;
	v8 =	vnsel vm3, $0x0, v8  }
0x27a: {  	v8 =	vmin.u32 v8, $0x1FF;
	_ =	sdelay $0x1  }
0x27b: {  	v5 =	vnsel vm1, $0x0, v5  }
0x27c: {  	v5 =	vsel vm0, v5, v7  }
0x27d: {  	[tilespmem:v9+s26+$0x0] =	vst.idx.msk $0xffff, v5  }
0x27e: {  	v5 =	vld.idx.msk [tilespmem:v8+s25+$0x0], $0xffff  }
0x27f: {  	v7 =	vld.idx.msk [tilespmem:v6+s21+$0x0], $0xffff  }
0x280: {  	v9 =	vmul.u32 $0x3, v6;
	_ =	sdelay $0x1  }
0x281: {  	vm0 =	vge.s32 v6, v3;
	v6 =	vor.u32 $0x200, v8  }
0x282: {  	v10 =	vadd.s32 s29, v1;
	vm2 =	vmand vm0, vm2  }
0x283: {  	v5 =	vnsel vm2, $0x0, v5  }
0x284: {  	v5 =	vsel vm0, v5, v7  }
0x285: {  	[tilespmem:v9+s26+$0x0] =	vst.idx.msk $0xffff, v5  }
0x286: {  	v5 =	vld.idx.msk [tilespmem:v6+s25+$0x0], $0xffff  }
0x287: {  	v6 =	vld.idx.msk [tilespmem:v10+s21+$0x0], $0xffff;
	_ =	sdelay $0x1  }
0x288: {  	v7 =	vadd.s32 $0x1, v9  }
0x289: {  	v8 =	vor.u32 $0x400, v8  }
0x28a: {  	v10 =	vadd.s32 s29, v2  }
0x28b: {  	v5 =	vnsel vm2, $0x0, v5  }
0x28c: {  	s29 =	sadd.s32 $0x40, s29;
	v5 =	vsel vm0, v5, v6  }
0x28d: {  	s31 =	sadd.s32 $0xFFFFFFD0, s29;
	[tilespmem:v7+s26+$0x0] =	vst.idx.msk $0xffff, v5  }
0x28e: {  	v6 =	vor.u32 s31, v0;
	v8 =	vld.idx.msk [tilespmem:v8+s25+$0x0], $0xffff  }
0x28f: {  	vm1 =	vlt.s32 v6, v4;
	v5 =	vsub.s32 v6, v3;
	v10 =	vld.idx.msk [tilespmem:v10+s21+$0x0], $0xffff  }
0x290: {  	vm3 =	vgt.s32 v5, $0x0  }
.Ltmp4:
0x291: {  	v7 =	vadd.s32 $0x2, v9;
	v5 =	vnsel vm3, $0x0, v5;
	(pc) =	sbr.rel @p1 .LBB2_5-.Ltmp4, $3  }
0x292: {  	v5 =	vmin.u32 v5, $0x1FF;
	_ =	sdelay $0x1  }
0x293: {  	v8 =	vnsel vm2, $0x0, v8  }
0x294: {  	v8 =	vsel vm0, v8, v10  }
.Ltmp5:
0x295: {  	_ = 	snop;
	(pc) =	sbr.rel .LBB2_6-.Ltmp5, $1  }
0x296: {  	_ =	sdelay $0x3  }
.LBB2_8:
0x297: {  	_ =	sfence.sel $0x180000  }
0x298: {  	[bflag:$0x0] =	sbarrier.arrive $0xFFFF  }
0x299: {  	_ =	strace $0x90000047  }
0x29a: {  	[bflag:$0x2] =	sbarrier.arrive $0xFFFF  }
0x29b: {  	p0 =	sne.s32 s0, $0x0;
	s0 =	rddreg [dreg:$0x5]  }
0x29c: {  	s0 =	sadd.s32 @!p0 $0x100000, s0  }
0x29d: {  	[sflag:s0] =	ssyncadd.tile.s32 @!p0 $0x1;
	_ =	shalt  }
.Lfunc_end2:
_tile_overlayer_lowered:
.L_overlay_start_2:
0x29e: {  	(tag) =	ssettag $0x2  }
0x29f: {  	s0 =	rddreg [dreg:$0x0];
	s2 =	stileid.u32  }
0x2a0: {  	s1 =	rddreg [dreg:$0x1];
	p0 =	sne.s32 s2, $0x0  }
0x2a1: {  	s3 =	rddreg [dreg:$0x2];
	[bflag:$0x3] =	sbarrier.arrive $0xFFFF;
	s2 =	simm.s32 @!p0 $0x1C01  }
0x2a2: {  	[timem:s3], [sflag:s2] =	dma.local @!p0 [hbm:s0], s1  }
0x2a3: {  	s0 =	simm.s32 @!p0 $0x1  }
0x2a4: {  	_ =	swait.ge @!p0 [sflag:s0], s1  }
0x2a5: {  	s1 =	ssub.s32 @!p0 $0x0, s1;
	[sflag:s0] =	ssyncset.done @!p0 $0x0  }
0x2a6: {  	[sflag:s0] =	ssyncadd.s32 @!p0 s1  }
0x2a7: {  	[bflag:$0x3] =	sbarrier.arrive $0xFFFF  }
0x2a8: {  	_ =	shalt  }

</sc_bundles>
